<compile_context>
chip_gen: v7x
topology: tpu7x:2x2x1
jax: 0.10.2.dev20260603
libtpu: 0.0.44.dev20260713+nightly
codegen_flags: <defaults>
</compile_context>

<pallas_src>
import functools

import jax
import jax.numpy as jnp
from jax import lax
from jax.experimental import pallas as pl
from jax.experimental.pallas import tpu as pltpu
from jax.experimental.pallas import tpu_sc as plsc

EMB = 128
NR = 6
NS = 7
NB = 8
NE = 160000
NL = 640000


_BLK_A = 1000


def _silu(x):
    return x * jax.nn.sigmoid(x)


def _phase_a_body(m_ref, rbf_ref, o_ref, env_ref, Wji_ref, bji_ref, Wkj_ref,
                  bkj_ref, Wrbf_ref, xji_ref, xk_ref, side_ref):
    mb = m_ref[...]
    xji_ref[...] = _silu(jnp.dot(mb, Wji_ref[...],
                                 preferred_element_type=jnp.float32)
                         + bji_ref[...])
    rbf_emb = jnp.dot(rbf_ref[...], Wrbf_ref[...],
                      preferred_element_type=jnp.float32)
    xk_ref[...] = _silu(jnp.dot(mb, Wkj_ref[...],
                                preferred_element_type=jnp.float32)
                        + bkj_ref[...]) * rbf_emb
    ob = o_ref[...]
    n = jnp.sum(ob * ob, axis=1, keepdims=True)
    uhat = ob * lax.rsqrt(jnp.maximum(n, 1e-30))
    pad = jnp.zeros((ob.shape[0], EMB - 45), jnp.float32)
    side_ref[...] = jnp.concatenate([env_ref[...], uhat, pad], axis=1)


def _phase_a(m, rbf, o, rbf_env, W_ji, b_ji, W_kj, b_kj, W_rbf):
    n_blk = NE // _BLK_A
    row = lambda i: (i, 0)
    const = lambda i: (0, 0)
    return pl.pallas_call(
        _phase_a_body,
        grid=(n_blk,),
        in_specs=[
            pl.BlockSpec((_BLK_A, EMB), row),
            pl.BlockSpec((_BLK_A, NR), row),
            pl.BlockSpec((_BLK_A, 3), row),
            pl.BlockSpec((_BLK_A, NS * NR), row),
            pl.BlockSpec((EMB, EMB), const),
            pl.BlockSpec((1, EMB), const),
            pl.BlockSpec((EMB, EMB), const),
            pl.BlockSpec((1, EMB), const),
            pl.BlockSpec((NR, EMB), const),
        ],
        out_specs=[
            pl.BlockSpec((_BLK_A, EMB), row),
            pl.BlockSpec((_BLK_A, EMB), row),
            pl.BlockSpec((_BLK_A, EMB), row),
        ],
        out_shape=[
            jax.ShapeDtypeStruct((NE, EMB), jnp.float32),
            jax.ShapeDtypeStruct((NE, EMB), jnp.float32),
            jax.ShapeDtypeStruct((NE, EMB), jnp.float32),
        ],
    )(m, rbf, o, rbf_env, W_ji, b_ji, W_kj, b_kj, W_rbf)



_NW = 32
_EW = NL // _NW
_BGB = 160
_NBB = _EW // _BGB


def _phase_b(xk_tab, side_tab, src, dst):
    mesh = plsc.VectorSubcoreMesh(core_axis_name="c", subcore_axis_name="s")

    @functools.partial(
        pl.kernel,
        mesh=mesh,
        out_type=[
            jax.ShapeDtypeStruct((NL, EMB), jnp.float32),
            jax.ShapeDtypeStruct((NL, EMB), jnp.float32),
            jax.ShapeDtypeStruct((NL, EMB), jnp.float32),
        ],
        scratch_types=[
            pltpu.VMEM((_EW,), jnp.int32),
            pltpu.VMEM((_EW,), jnp.int32),
            pltpu.VMEM((_BGB, EMB), jnp.float32),
            pltpu.VMEM((_BGB, EMB), jnp.float32),
            pltpu.VMEM((_BGB, EMB), jnp.float32),
        ],
    )
    def kern(xk_hbm, side_hbm, src_hbm, dst_hbm,
             xkg_hbm, s48g_hbm, o8g_hbm,
             src_v, dst_v, xk_b, ss_b, sd_b):
        wid = lax.axis_index("s") * 2 + lax.axis_index("c")
        base = wid * _EW
        pltpu.sync_copy(src_hbm.at[pl.ds(base, _EW)], src_v)
        pltpu.sync_copy(dst_hbm.at[pl.ds(base, _EW)], dst_v)

        @pl.loop(0, _NBB)
        def _(j):
            off = j * _BGB
            s_idx = src_v.at[pl.ds(off, _BGB)]
            d_idx = dst_v.at[pl.ds(off, _BGB)]
            pltpu.sync_copy(xk_hbm.at[s_idx], xk_b)
            pltpu.sync_copy(side_hbm.at[s_idx], ss_b)
            pltpu.sync_copy(side_hbm.at[d_idx], sd_b)
            pltpu.sync_copy(xk_b, xkg_hbm.at[pl.ds(base + off, _BGB)])
            pltpu.sync_copy(ss_b, s48g_hbm.at[pl.ds(base + off, _BGB)])
            pltpu.sync_copy(sd_b, o8g_hbm.at[pl.ds(base + off, _BGB)])

    return kern(xk_tab, side_tab, src, dst)



_BLK_C = 1000


def _phase_c_body(xkg_ref, sg_ref, dg_ref, Wsb_ref, W2_ref, msg_ref):
    s48 = sg_ref[:, 0:48]
    r1 = sg_ref[:, 42:45]
    r2 = dg_ref[:, 42:45]
    c = jnp.sum(r1 * r2, axis=1, keepdims=True)
    p = jnp.dot(s48, Wsb_ref[...], preferred_element_type=jnp.float32)
    t_prev = jnp.ones_like(c)
    t_cur = c
    sbf = p[:, 0:NB] + t_cur * p[:, NB:2 * NB]
    for l in range(2, NS):
        t_nxt = 2.0 * c * t_cur - t_prev
        t_prev, t_cur = t_cur, t_nxt
        sbf = sbf + t_cur * p[:, l * NB:(l + 1) * NB]
    y = jnp.dot(xkg_ref[...], W2_ref[...], preferred_element_type=jnp.float32)
    msg = sbf[:, 0:1] * y[:, 0:EMB]
    for i in range(1, NB):
        msg = msg + sbf[:, i:i + 1] * y[:, i * EMB:(i + 1) * EMB]
    msg_ref[...] = msg


def _phase_c(xkg, s48g, o8g, Wsb, W2):
    n_blk = NL // _BLK_C
    row = lambda i: (i, 0)
    const = lambda i: (0, 0)
    return pl.pallas_call(
        _phase_c_body,
        grid=(n_blk,),
        in_specs=[
            pl.BlockSpec((_BLK_C, EMB), row),
            pl.BlockSpec((_BLK_C, EMB), row),
            pl.BlockSpec((_BLK_C, EMB), row),
            pl.BlockSpec((48, NS * NB), const),
            pl.BlockSpec((EMB, NB * EMB), const),
        ],
        out_specs=pl.BlockSpec((_BLK_C, EMB), row),
        out_shape=jax.ShapeDtypeStruct((NL, EMB), jnp.float32),
    )(xkg, s48g, o8g, Wsb, W2)



_NCH = 25
_CR = NE // _NCH
_CPAD = 128
_EW2 = NL // 16
_STRIP = 8000
_SCAN = 400
_FB = 256
_CAP = 8192
_CBUF = _CAP + _SCAN + _FB + 104


def _phase_d(msg, dst, zeros_fb):
    mesh = plsc.VectorSubcoreMesh(core_axis_name="c", subcore_axis_name="s")

    @functools.partial(
        pl.kernel,
        mesh=mesh,
        compiler_params=pltpu.CompilerParams(needs_layout_passes=False),
        out_type=jax.ShapeDtypeStruct((NE, EMB), jnp.float32),
        scratch_types=[
            pltpu.VMEM((_STRIP,), jnp.int32),
            pltpu.VMEM((_CBUF,), jnp.int32),
            pltpu.VMEM((_CBUF,), jnp.int32),
            pltpu.VMEM((_FB,), jnp.int32),
            pltpu.VMEM((_FB,), jnp.int32),
            pltpu.VMEM((_FB, EMB), jnp.float32),
            pltpu.VMEM_SHARED((_CR + _CPAD, EMB), jnp.float32),
        ],
    )
    def kern(msg_hbm, dst_hbm, zfb_hbm, out_hbm,
             dst_v, ids_v, dl_v, idsb_v, dlb_v, rows_v, acc_sh):
        cid = lax.axis_index("c")
        sid = lax.axis_index("s")
        ebase = sid * _EW2
        lane = lax.iota(jnp.int32, 16)

        def flush(off):
            @pl.loop(0, _FB // 16)
            def _(t):
                pad_at = off + t * 16
                ids_v[pl.ds(pad_at, 16)] = lane
                dl_v[pl.ds(pad_at, 16)] = _CR + lane
            nsub = (off + _FB - 1) // _FB

            def sub(jj, carry):
                @pl.loop(0, _FB // 16)
                def _(t):
                    idsb_v[pl.ds(t * 16, 16)] = ids_v[pl.ds(jj * _FB + t * 16,
                                                            16)]
                    dlb_v[pl.ds(t * 16, 16)] = dl_v[pl.ds(jj * _FB + t * 16,
                                                          16)]
                pltpu.sync_copy(msg_hbm.at[idsb_v], rows_v)
                pltpu.sync_copy(rows_v, acc_sh.at[dlb_v], add=True)
                return carry
            lax.fori_loop(0, nsub, sub, jnp.int32(0))

        def _do_chunk(ch, lo):
            rows_per = (_CR + _CPAD) // 16
            zb = sid * rows_per

            @pl.loop(0, rows_per // _FB)
            def _(t):
                pltpu.sync_copy(zfb_hbm, acc_sh.at[pl.ds(zb + t * _FB, _FB)])
            rem = rows_per % _FB
            if rem:
                pltpu.sync_copy(zfb_hbm.at[pl.ds(0, rem)],
                                acc_sh.at[pl.ds(zb + rows_per - rem, rem)])
            plsc.subcore_barrier()

            def scan_strip(s, off):
                pltpu.sync_copy(dst_hbm.at[pl.ds(ebase + s * _STRIP, _STRIP)],
                                dst_v)

                def scan_blk(b, off):
                    def scan_vec(v, off):
                        at = b * _SCAN + v * 16
                        d = dst_v[pl.ds(at, 16)]
                        msk = (d >= lo) & (d < lo + _CR)
                        eid = ebase + s * _STRIP + at + lane
                        plsc.store_compressed(ids_v.at[pl.ds(off, 16)], eid,
                                              mask=msk)
                        plsc.store_compressed(dl_v.at[pl.ds(off, 16)], d - lo,
                                              mask=msk)
                        return off + jnp.sum(msk.astype(jnp.int32))
                    off = lax.fori_loop(0, _SCAN // 16, scan_vec, off)

                    def do_flush(o):
                        flush(o)
                        return jnp.int32(0)
                    off = lax.cond(off >= _CAP, do_flush, lambda o: o, off)
                    return off
                return lax.fori_loop(0, _STRIP // _SCAN, scan_blk, off)
            off = lax.fori_loop(0, _EW2 // _STRIP, scan_strip, jnp.int32(0))

            def final_flush(o):
                flush(o)
                return jnp.int32(0)
            lax.cond(off > 0, final_flush, lambda o: jnp.int32(0), off)
            plsc.subcore_barrier()

            wrows = _CR // 16
            wb = sid * wrows
            pltpu.sync_copy(acc_sh.at[pl.ds(wb, wrows)],
                            out_hbm.at[pl.ds(lo + wb, wrows)])
            plsc.subcore_barrier()

        @pl.loop(0, 13)
        def _chunk(kk):
            ch = cid * 13 + kk
            lo = ch * _CR
            valid = (cid == 0) | (kk < 12)

            @pl.when(valid)
            def _():
                _do_chunk(ch, lo)

    return kern(msg, dst, zeros_fb)



_BLK_E = 1000


def _phase_e_body(m_ref, xji_ref, ms_ref, Wb1, bb1, Wb2, bb2, Wf, bf,
                  Wa11, ba11, Wa12, ba12, Wa21, ba21, Wa22, ba22, out_ref):
    def ff(x, w, b):
        return _silu(jnp.dot(x, w[...], preferred_element_type=jnp.float32)
                     + b[...])
    mu = ms_ref[...] + xji_ref[...]
    h = ff(ff(mu, Wb1, bb1), Wb2, bb2)
    mu = mu + h
    mu = ff(mu, Wf, bf)
    mn = m_ref[...] + mu
    h = ff(ff(mn, Wa11, ba11), Wa12, ba12)
    mn = mn + h
    h = ff(ff(mn, Wa21, ba21), Wa22, ba22)
    out_ref[...] = mn + h


def _phase_e(m, x_ji, msum, weights):
    n_blk = NE // _BLK_E
    row = lambda i: (i, 0)
    const = lambda i: (0, 0)
    w_specs = []
    for w in weights:
        w_specs.append(pl.BlockSpec(w.shape, const))
    return pl.pallas_call(
        _phase_e_body,
        grid=(n_blk,),
        in_specs=[pl.BlockSpec((_BLK_E, EMB), row)] * 3 + w_specs,
        out_specs=pl.BlockSpec((_BLK_E, EMB), row),
        out_shape=jax.ShapeDtypeStruct((NE, EMB), jnp.float32),
    )(m, x_ji, msum, *weights)



def kernel(m, rbf, o, rbf_env, lg_edge_index, W_rbf, W_sbf, W_ji, b_ji, W_kj,
           b_kj, W_bil, Wb1, bb1, Wb2, bb2, W_fbs, b_fbs, Wa11, ba11, Wa12,
           ba12, Wa21, ba21, Wa22, ba22):
    r2 = lambda b: b.reshape(1, EMB)
    x_ji, xk_tab, side_tab = _phase_a(
        m, rbf, o, rbf_env, W_ji, r2(b_ji), W_kj, r2(b_kj), W_rbf)

    src = lg_edge_index[0]
    dst = lg_edge_index[1]
    xkg, s48g, o8g = _phase_b(xk_tab, side_tab, src, dst)

    j_idx = jnp.arange(48)
    l_idx = jnp.arange(NS * NB) // NB
    i_idx = jnp.arange(NS * NB) % NB
    sel = ((j_idx[:, None] // NR) == l_idx[None, :]) & (j_idx[:, None] < 42)
    wsb_full = jnp.where(j_idx[:, None] < 42,
                         W_sbf[jnp.minimum(j_idx, 41)][:, i_idx], 0.0)
    Wsb = jnp.where(sel, wsb_full, 0.0).astype(jnp.float32)
    W2 = jnp.transpose(W_bil, (2, 1, 0)).reshape(EMB, NB * EMB)

    msg = _phase_c(xkg, s48g, o8g, Wsb, W2)

    zeros_fb = jnp.zeros((_FB, EMB), jnp.float32)
    msum = _phase_d(msg, dst, zeros_fb)

    weights = [Wb1, r2(bb1), Wb2, r2(bb2), W_fbs, r2(b_fbs), Wa11, r2(ba11),
               Wa12, r2(ba12), Wa21, r2(ba21), Wa22, r2(ba22)]
    return _phase_e(m, x_ji, msum, weights)

# --- scband reference (transcript-rebuilt; emitter-appended) ---
"""Pipeline reference for scband-interaction-block-12360915878800 (READ-ONLY COPY).

The authoritative reference and input builder live on the scoring server;
editing this copy changes nothing except your own understanding.
"""

import jax, jax.numpy as jnp
import numpy as np

EMB = 128
NUM_RADIAL = 6
NUM_SPHERICAL = 7
NUM_BILINEAR = 8
N_EDGES = 160000
N_LG_EDGES = 640000

def silu(x):
    return x * jax.nn.sigmoid(x)

def sph_basis(angle):
    # stand-in spherical basis functions of the bond angle (one per l)
    return jnp.stack([jnp.cos(l * angle) for l in range(NUM_SPHERICAL)], axis=1)

def setup_inputs(seed=0):
    key = jax.random.key(seed)
    ks = jax.random.split(key, 32)
    def w(k, shape, fan_in):
        return (jax.random.normal(k, shape) / np.sqrt(fan_in)).astype(jnp.float32)
    inp = {}
    inp['m'] = jax.random.normal(ks[0], (N_EDGES, EMB), dtype=jnp.float32)
    inp['rbf'] = jax.random.normal(ks[1], (N_EDGES, NUM_RADIAL), dtype=jnp.float32)
    inp['o'] = jax.random.normal(ks[2], (N_EDGES, 3), dtype=jnp.float32)
    inp['rbf_env'] = jax.random.normal(ks[3], (N_EDGES, NUM_SPHERICAL * NUM_RADIAL), dtype=jnp.float32)
    inp['lg_edge_index'] = jax.random.randint(ks[4], (2, N_LG_EDGES), 0, N_EDGES, dtype=jnp.int32)
    inp['W_rbf'] = w(ks[5], (NUM_RADIAL, EMB), NUM_RADIAL)
    inp['W_sbf'] = w(ks[6], (NUM_SPHERICAL * NUM_RADIAL, NUM_BILINEAR), NUM_SPHERICAL * NUM_RADIAL)
    inp['W_ji'] = w(ks[7], (EMB, EMB), EMB)
    inp['b_ji'] = jnp.zeros((EMB,), dtype=jnp.float32)
    inp['W_kj'] = w(ks[8], (EMB, EMB), EMB)
    inp['b_kj'] = jnp.zeros((EMB,), dtype=jnp.float32)
    bound = 2.0 / EMB
    inp['W_bil'] = jax.random.uniform(ks[9], (EMB, NUM_BILINEAR, EMB), minval=-bound, maxval=bound, dtype=jnp.float32)
    inp['Wb1'] = w(ks[10], (EMB, EMB), EMB)
    inp['bb1'] = jnp.zeros((EMB,), dtype=jnp.float32)
    inp['Wb2'] = w(ks[11], (EMB, EMB), EMB)
    inp['bb2'] = jnp.zeros((EMB,), dtype=jnp.float32)
    inp['W_fbs'] = w(ks[12], (EMB, EMB), EMB)
    inp['b_fbs'] = jnp.zeros((EMB,), dtype=jnp.float32)
    inp['Wa11'] = w(ks[13], (EMB, EMB), EMB)
    inp['ba11'] = jnp.zeros((EMB,), dtype=jnp.float32)
    inp['Wa12'] = w(ks[14], (EMB, EMB), EMB)
    inp['ba12'] = jnp.zeros((EMB,), dtype=jnp.float32)
    inp['Wa21'] = w(ks[15], (EMB, EMB), EMB)
    inp['ba21'] = jnp.zeros((EMB,), dtype=jnp.float32)
    inp['Wa22'] = w(ks[16], (EMB, EMB), EMB)
    inp['ba22'] = jnp.zeros((EMB,), dtype=jnp.float32)
    return inp

def _forward(m, rbf, o, rbf_env, lg_edge_index, W_rbf, W_sbf, W_ji, b_ji, W_kj, b_kj, W_bil, Wb1, bb1, Wb2, bb2, W_fbs, b_fbs, Wa11, ba11, Wa12, ba12, Wa21, ba21, Wa22, ba22):
    # edge_transfer on g
    rbf_emb = rbf @ W_rbf
    x_ji = silu(m @ W_ji + b_ji)
    x_kj = silu(m @ W_kj + b_kj) * rbf_emb
    # msg_func on line graph: src/dst index into edges of g
    src = lg_edge_index[0]
    dst = lg_edge_index[1]
    R1 = o[src]
    R2 = o[dst]
    xdot = jnp.sum(R1 * R2, axis=-1)
    ycross = jnp.linalg.norm(jnp.cross(R1, R2), axis=-1)
    angle = jnp.arctan2(ycross, xdot)
    cbf = sph_basis(angle)
    cbf = jnp.repeat(cbf, NUM_RADIAL, axis=1)
    sbf = rbf_env[src] * cbf
    sbf = sbf @ W_sbf
    xk = x_kj[src]
    # bilinear: out[b,o] = sum_{i,j} sbf[b,i] * W_bil[o,i,j] * xk[b,j]
    msg = jnp.zeros((src.shape[0], EMB), dtype=jnp.float32)
    for i in range(NUM_BILINEAR):
        msg = msg + sbf[:, i:i+1] * (xk @ W_bil[:, i, :].T)
    # sum-aggregate over line-graph dst (= edge of g)
    m_update = jax.ops.segment_sum(msg, dst, num_segments=N_EDGES)
    m_update = m_update + x_ji
    # residual layers before skip (1)
    h = silu(m_update @ Wb1 + bb1)
    h = silu(h @ Wb2 + bb2)
    m_update = m_update + h
    m_update = silu(m_update @ W_fbs + b_fbs)
    m_new = m + m_update
    # residual layers after skip (2)
    h = silu(m_new @ Wa11 + ba11)
    h = silu(h @ Wa12 + ba12)
    m_new = m_new + h
    h = silu(m_new @ Wa21 + ba21)
    h = silu(h @ Wa22 + ba22)
    m_new = m_new + h
    return m_new

def reference(m, rbf, o, rbf_env, lg_edge_index, W_rbf, W_sbf, W_ji, b_ji, W_kj, b_kj, W_bil, Wb1, bb1, Wb2, bb2, W_fbs, b_fbs, Wa11, ba11, Wa12, ba12, Wa21, ba21, Wa22, ba22):
    return _forward(m, rbf, o, rbf_env, lg_edge_index, W_rbf, W_sbf, W_ji, b_ji, W_kj, b_kj, W_bil, Wb1, bb1, Wb2, bb2, W_fbs, b_fbs, Wa11, ba11, Wa12, ba12, Wa21, ba21, Wa22, ba22)

if __name__ == "__main__":
    import jax
    _d = setup_inputs()
    print(jax.jit(kernel)(*tuple(_d.values())))

</pallas_src>

<mosaic_0001>
#map = affine_map<(d0, d1) -> (0, 0)>
#map1 = affine_map<(d0, d1) -> (0)>
module attributes {stable_mosaic.version = 14 : i64} {
  func.func @kern(%arg0: i32, %arg1: i32, %arg2: memref<640000x128xf32, #tpu.memory_space<hbm>>, %arg3: memref<640000xi32, #tpu.memory_space<hbm>>, %arg4: memref<256x128xf32, #tpu.memory_space<hbm>>, %arg5: memref<160000x128xf32, #tpu.memory_space<hbm>>, %arg6: memref<8000xi32, #tpu.memory_space<vmem>>, %arg7: memref<8952xi32, #tpu.memory_space<vmem>>, %arg8: memref<8952xi32, #tpu.memory_space<vmem>>, %arg9: memref<256xi32, #tpu.memory_space<vmem>>, %arg10: memref<256xi32, #tpu.memory_space<vmem>>, %arg11: memref<256x128xf32, #tpu.memory_space<vmem>>, %arg12: memref<6528x128xf32, #tpu.memory_space<vmem_shared>>) attributes {dimension_semantics = [#tpu.dimension_semantics<core_parallel>, #tpu.dimension_semantics<subcore_parallel>], iteration_bounds = array<i64: 2, 16>, scalar_prefetch = 0 : i64, scratch_operands = 7 : i64, tpu.core_type = #tpu.core_type<sc_vector_subcore>, window_params = [{transform_indices = #map}, {transform_indices = #map1}, {transform_indices = #map}, {transform_indices = #map}]} {
    %mul3A = arith.constant 40000 : i32
    %mul3A_0 = arith.muli %arg1, %mul3A : i32
    %iota3A = tpu.iota {dimensions = array<i32: 0>} : vector<16xi32>
    %scan3A = arith.constant 0 : i32
    %scan3A_1 = arith.constant 13 : i32
    %scan3A_2 = arith.addi %scan3A, %scan3A_1 : i32
    %scan3A_3 = arith.constant 1 : i32
    scf.for %scan3A_5 = %scan3A to %scan3A_2 step %scan3A_3  : i32 {
      %mul3A_6 = arith.constant 1 : i32
      %mul3A_7 = arith.muli %scan3A_5, %mul3A_6 : i32
      %add3A = arith.constant 0 : i32
      %add3A_8 = arith.addi %add3A, %mul3A_7 : i32
      %mul3A_9 = arith.constant 13 : i32
      %mul3A_10 = arith.muli %arg0, %mul3A_9 : i32
      %add3A_11 = arith.addi %mul3A_10, %add3A_8 : i32
      %mul3A_12 = arith.constant 6400 : i32
      %mul3A_13 = arith.muli %add3A_11, %mul3A_12 : i32
      %eq3A = arith.constant 0 : i32
      %eq3A_14 = arith.cmpi eq, %arg0, %eq3A : i32
      %lt3A = arith.constant 12 : i32
      %lt3A_15 = arith.cmpi slt, %add3A_8, %lt3A : i32
      %or3A = arith.ori %eq3A_14, %lt3A_15 : i1
      %convert_element_type3A = arith.extui %or3A : i1 to i32
      %cond3A = arith.constant 0 : i32
      %cond3A_16 = arith.cmpi ne, %convert_element_type3A, %cond3A : i32
      scf.if %cond3A_16 {
        %mul3A_17 = arith.constant 408 : i32
        %mul3A_18 = arith.muli %arg1, %mul3A_17 : i32
        %scan3A_19 = arith.constant 0 : i32
        %mul3A_20 = arith.constant 1 : i32
        %mul3A_21 = arith.muli %scan3A_19, %mul3A_20 : i32
        %add3A_22 = arith.constant 0 : i32
        %add3A_23 = arith.addi %add3A_22, %mul3A_21 : i32
        %mul3A_24 = arith.constant 256 : i32
        %mul3A_25 = arith.muli %add3A_23, %mul3A_24 : i32
        %add3A_26 = arith.addi %mul3A_18, %mul3A_25 : i32
        "tpu.region"() ({
          %run_scoped3A = tpu.sem_alloc : memref<!tpu.dma_semaphore, #tpu.memory_space<semaphore_mem>>
          %dma_start3A = arith.constant 0 : i32
          %dma_start3A_48 = tpu.memref_slice %arg12[%add3A_26, %dma_start3A] : memref<6528x128xf32, #tpu.memory_space<vmem_shared>> -> memref<256x128xf32, #tpu.memory_space<vmem_shared>>
          tpu.enqueue_dma source(%arg4 : memref<256x128xf32, #tpu.memory_space<hbm>>) target(%dma_start3A_48 : memref<256x128xf32, #tpu.memory_space<vmem_shared>>) target_semaphore(%run_scoped3A : memref<!tpu.dma_semaphore, #tpu.memory_space<semaphore_mem>>)
          %dma_wait3A = arith.constant 0 : i32
          %dma_wait3A_49 = tpu.memref_slice %arg12[%add3A_26, %dma_wait3A] : memref<6528x128xf32, #tpu.memory_space<vmem_shared>> -> memref<256x128xf32, #tpu.memory_space<vmem_shared>>
          tpu.wait_dma2 semaphore(%run_scoped3A : memref<!tpu.dma_semaphore, #tpu.memory_space<semaphore_mem>>) src(%arg4 : memref<256x128xf32, #tpu.memory_space<hbm>>) dst(%dma_wait3A_49 : memref<256x128xf32, #tpu.memory_space<vmem_shared>>)
          tpu.yield
        }) : () -> ()
        %scan3A_27 = arith.constant 1 : i32
        %add3A_28 = arith.constant 408 : i32
        %add3A_29 = arith.addi %mul3A_18, %add3A_28 : i32
        %sub3A = arith.constant 152 : i32
        %sub3A_30 = arith.subi %add3A_29, %sub3A : i32
        "tpu.region"() ({
          %run_scoped3A = tpu.sem_alloc : memref<!tpu.dma_semaphore, #tpu.memory_space<semaphore_mem>>
          %dma_start3A = arith.constant 0 : i32
          %dma_start3A_48 = tpu.memref_slice %arg12[%sub3A_30, %dma_start3A] : memref<6528x128xf32, #tpu.memory_space<vmem_shared>> -> memref<152x128xf32, #tpu.memory_space<vmem_shared>>
          %dma_start3A_49 = arith.constant 0 : i32
          %dma_start3A_50 = arith.constant 0 : i32
          %dma_start3A_51 = tpu.memref_slice %arg4[%dma_start3A_49, %dma_start3A_50] : memref<256x128xf32, #tpu.memory_space<hbm>> -> memref<152x128xf32, #tpu.memory_space<hbm>>
          tpu.enqueue_dma source(%dma_start3A_51 : memref<152x128xf32, #tpu.memory_space<hbm>>) target(%dma_start3A_48 : memref<152x128xf32, #tpu.memory_space<vmem_shared>>) target_semaphore(%run_scoped3A : memref<!tpu.dma_semaphore, #tpu.memory_space<semaphore_mem>>)
          %dma_wait3A = arith.constant 0 : i32
          %dma_wait3A_52 = tpu.memref_slice %arg12[%sub3A_30, %dma_wait3A] : memref<6528x128xf32, #tpu.memory_space<vmem_shared>> -> memref<152x128xf32, #tpu.memory_space<vmem_shared>>
          %dma_wait3A_53 = arith.constant 0 : i32
          %dma_wait3A_54 = arith.constant 0 : i32
          %dma_wait3A_55 = tpu.memref_slice %arg4[%dma_wait3A_53, %dma_wait3A_54] : memref<256x128xf32, #tpu.memory_space<hbm>> -> memref<152x128xf32, #tpu.memory_space<hbm>>
          tpu.wait_dma2 semaphore(%run_scoped3A : memref<!tpu.dma_semaphore, #tpu.memory_space<semaphore_mem>>) src(%dma_wait3A_55 : memref<152x128xf32, #tpu.memory_space<hbm>>) dst(%dma_wait3A_52 : memref<152x128xf32, #tpu.memory_space<vmem_shared>>)
          tpu.yield
        }) : () -> ()
        %barrier3A = arith.constant 0 : index
        tpu.barrier barrier_id(%barrier3A)
        %scan3A_31 = arith.constant 0 : i32
        %scan3A_32 = arith.constant 0 : i32
        %scan3A_33 = arith.constant 5 : i32
        %scan3A_34 = arith.addi %scan3A_32, %scan3A_33 : i32
        %scan3A_35 = arith.constant 1 : i32
        %scan3A_36 = scf.for %scan3A_48 = %scan3A_32 to %scan3A_34 step %scan3A_35 iter_args(%scan3A_49 = %scan3A_31) -> (i32)  : i32 {
          %mul3A_50 = arith.constant 8000 : i32
          %mul3A_51 = arith.muli %scan3A_48, %mul3A_50 : i32
          %add3A_52 = arith.addi %mul3A_0, %mul3A_51 : i32
          "tpu.region"() ({
            %run_scoped3A = tpu.sem_alloc : memref<!tpu.dma_semaphore, #tpu.memory_space<semaphore_mem>>
            %dma_start3A = tpu.memref_slice %arg3[%add3A_52] : memref<640000xi32, #tpu.memory_space<hbm>> -> memref<8000xi32, #tpu.memory_space<hbm>>
            %dma_start3A_59 = tpu.memref_slice %arg3[%add3A_52] : memref<640000xi32, #tpu.memory_space<hbm>> -> memref<8000xi32, #tpu.memory_space<hbm>>
            tpu.enqueue_dma source(%dma_start3A_59 : memref<8000xi32, #tpu.memory_space<hbm>>) target(%arg6 : memref<8000xi32, #tpu.memory_space<vmem>>) target_semaphore(%run_scoped3A : memref<!tpu.dma_semaphore, #tpu.memory_space<semaphore_mem>>)
            %dma_wait3A = tpu.memref_slice %arg3[%add3A_52] : memref<640000xi32, #tpu.memory_space<hbm>> -> memref<8000xi32, #tpu.memory_space<hbm>>
            %dma_wait3A_60 = tpu.memref_slice %arg3[%add3A_52] : memref<640000xi32, #tpu.memory_space<hbm>> -> memref<8000xi32, #tpu.memory_space<hbm>>
            tpu.wait_dma2 semaphore(%run_scoped3A : memref<!tpu.dma_semaphore, #tpu.memory_space<semaphore_mem>>) src(%dma_wait3A_60 : memref<8000xi32, #tpu.memory_space<hbm>>) dst(%arg6 : memref<8000xi32, #tpu.memory_space<vmem>>)
            tpu.yield
          }) : () -> ()
          %scan3A_53 = arith.constant 0 : i32
          %scan3A_54 = arith.constant 20 : i32
          %scan3A_55 = arith.addi %scan3A_53, %scan3A_54 : i32
          %scan3A_56 = arith.constant 1 : i32
          %scan3A_57 = scf.for %scan3A_59 = %scan3A_53 to %scan3A_55 step %scan3A_56 iter_args(%scan3A_60 = %scan3A_49) -> (i32)  : i32 {
            %scan3A_61 = arith.constant 0 : i32
            %scan3A_62 = arith.constant 25 : i32
            %scan3A_63 = arith.addi %scan3A_61, %scan3A_62 : i32
            %scan3A_64 = arith.constant 1 : i32
            %scan3A_65 = scf.for %scan3A_72 = %scan3A_61 to %scan3A_63 step %scan3A_64 iter_args(%scan3A_73 = %scan3A_60) -> (i32)  : i32 {
              %mul3A_74 = arith.constant 400 : i32
              %mul3A_75 = arith.muli %scan3A_59, %mul3A_74 : i32
              %mul3A_76 = arith.constant 16 : i32
              %mul3A_77 = arith.muli %scan3A_72, %mul3A_76 : i32
              %add3A_78 = arith.addi %mul3A_75, %mul3A_77 : i32
              %get3A = arith.index_cast %add3A_78 : i32 to index
              %get3A_79 = tpu.vector_load %arg6[%get3A] {strides = array<i32>} : memref<8000xi32, #tpu.memory_space<vmem>>, vector<16xi32>,
              %ge3A_80 = vector.broadcast %mul3A_13 : i32 to vector<16xi32>
              %ge3A_81 = arith.cmpi sge, %get3A_79, %ge3A_80 : vector<16xi32>
              %add3A_82 = arith.constant 6400 : i32
              %add3A_83 = arith.addi %mul3A_13, %add3A_82 : i32
              %lt3A_84 = vector.broadcast %add3A_83 : i32 to vector<16xi32>
              %lt3A_85 = arith.cmpi slt, %get3A_79, %lt3A_84 : vector<16xi32>
              %and3A = arith.andi %ge3A_81, %lt3A_85 : vector<16xi1>
              %mul3A_86 = arith.constant 8000 : i32
              %mul3A_87 = arith.muli %scan3A_48, %mul3A_86 : i32
              %add3A_88 = arith.addi %mul3A_0, %mul3A_87 : i32
              %add3A_89 = arith.addi %add3A_88, %add3A_78 : i32
              %add3A_90 = vector.broadcast %add3A_89 : i32 to vector<16xi32>
              %add3A_91 = arith.addi %add3A_90, %iota3A : vector<16xi32>
              %swap3A = arith.index_cast %scan3A_73 : i32 to index
              %swap3A_92 = tpu.vector_load %arg7[%swap3A] masked %and3A {strides = array<i32>} : memref<8952xi32, #tpu.memory_space<vmem>>, vector<16xi32>, vector<16xi1>
              tpu.vector_store %arg7[%swap3A], %add3A_91 masked %and3A {strides = array<i32>} : memref<8952xi32, #tpu.memory_space<vmem>>, vector<16xi32>, vector<16xi1>
              %sub3A_93 = vector.broadcast %mul3A_13 : i32 to vector<16xi32>
              %sub3A_94 = arith.subi %get3A_79, %sub3A_93 : vector<16xi32>
              %swap3A_95 = arith.index_cast %scan3A_73 : i32 to index
              %swap3A_96 = tpu.vector_load %arg8[%swap3A_95] masked %and3A {strides = array<i32>} : memref<8952xi32, #tpu.memory_space<vmem>>, vector<16xi32>, vector<16xi1>
              tpu.vector_store %arg8[%swap3A_95], %sub3A_94 masked %and3A {strides = array<i32>} : memref<8952xi32, #tpu.memory_space<vmem>>, vector<16xi32>, vector<16xi1>
              %convert_element_type3A_97 = arith.extui %and3A : vector<16xi1> to vector<16xi32>
              %reduce_sum3A = arith.constant true
              %reduce_sum3A_98 = vector.broadcast %reduce_sum3A : i1 to vector<16xi1>
              %reduce_sum3A_99 = tpu.scan <sum>, %convert_element_type3A_97 masked %reduce_sum3A_98 : vector<16xi32>, vector<16xi1> -> vector<16xi32>
              %reduce_sum3A_100 = vector.extract %reduce_sum3A_99[15] : i32 from vector<16xi32>
              %add3A_101 = arith.addi %scan3A_73, %reduce_sum3A_100 : i32
              scf.yield %add3A_101 : i32
            }
            %scan3A_66 = arith.constant 25 : i32
            %ge3A = arith.constant 8192 : i32
            %ge3A_67 = arith.cmpi sge, %scan3A_65, %ge3A : i32
            %convert_element_type3A_68 = arith.extui %ge3A_67 : i1 to i32
            %cond3A_69 = arith.constant 0 : i32
            %cond3A_70 = arith.cmpi ne, %convert_element_type3A_68, %cond3A_69 : i32
            %cond3A_71 = scf.if %cond3A_70 -> (i32) {
              %scan3A_72 = arith.constant 0 : i32
              %scan3A_73 = arith.constant 16 : i32
              %scan3A_74 = arith.addi %scan3A_72, %scan3A_73 : i32
              %scan3A_75 = arith.constant 1 : i32
              scf.for %scan3A_108 = %scan3A_72 to %scan3A_74 step %scan3A_75  : i32 {
                %mul3A_109 = arith.constant 1 : i32
                %mul3A_110 = arith.muli %scan3A_108, %mul3A_109 : i32
                %add3A_111 = arith.constant 0 : i32
                %add3A_112 = arith.addi %add3A_111, %mul3A_110 : i32
                %mul3A_113 = arith.constant 16 : i32
                %mul3A_114 = arith.muli %add3A_112, %mul3A_113 : i32
                %add3A_115 = arith.addi %scan3A_65, %mul3A_114 : i32
                %swap3A = arith.index_cast %add3A_115 : i32 to index
                %swap3A_116 = tpu.vector_load %arg7[%swap3A] {strides = array<i32>} : memref<8952xi32, #tpu.memory_space<vmem>>, vector<16xi32>,
                tpu.vector_store %arg7[%swap3A], %iota3A {strides = array<i32>} : memref<8952xi32, #tpu.memory_space<vmem>>, vector<16xi32>,
                %add3A_117 = arith.constant 6400 : i32
                %add3A_118 = vector.broadcast %add3A_117 : i32 to vector<16xi32>
                %add3A_119 = arith.addi %add3A_118, %iota3A : vector<16xi32>
                %swap3A_120 = arith.index_cast %add3A_115 : i32 to index
                %swap3A_121 = tpu.vector_load %arg8[%swap3A_120] {strides = array<i32>} : memref<8952xi32, #tpu.memory_space<vmem>>, vector<16xi32>,
                tpu.vector_store %arg8[%swap3A_120], %add3A_119 {strides = array<i32>} : memref<8952xi32, #tpu.memory_space<vmem>>, vector<16xi32>,
              }
              %scan3A_76 = arith.constant 16 : i32
              %add3A_77 = arith.constant 256 : i32
              %add3A_78 = arith.addi %scan3A_65, %add3A_77 : i32
              %sub3A_79 = arith.constant 1 : i32
              %sub3A_80 = arith.subi %add3A_78, %sub3A_79 : i32
              %jit3A = arith.constant 256 : i32
              %div3A = arith.divsi %sub3A_80, %jit3A : i32
              %sign3A = arith.constant 0 : i32
              %sign3A_81 = arith.cmpi sgt, %sub3A_80, %sign3A : i32
              %sign3A_82 = arith.extui %sign3A_81 : i1 to i32
              %sign3A_83 = arith.constant 0 : i32
              %sign3A_84 = arith.cmpi slt, %sub3A_80, %sign3A_83 : i32
              %sign3A_85 = arith.extui %sign3A_84 : i1 to i32
              %sign3A_86 = arith.subi %sign3A_82, %sign3A_85 : i32
              %sign3A_87 = arith.constant 0 : i32
              %sign3A_88 = arith.cmpi sgt, %jit3A, %sign3A_87 : i32
              %sign3A_89 = arith.extui %sign3A_88 : i1 to i32
              %sign3A_90 = arith.constant 0 : i32
              %sign3A_91 = arith.cmpi slt, %jit3A, %sign3A_90 : i32
              %sign3A_92 = arith.extui %sign3A_91 : i1 to i32
              %sign3A_93 = arith.subi %sign3A_89, %sign3A_92 : i32
              %ne3A = arith.cmpi ne, %sign3A_86, %sign3A_93 : i32
              %rem3A = arith.remsi %sub3A_80, %jit3A : i32
              %ne3A_94 = arith.constant 0 : i32
              %ne3A_95 = arith.cmpi ne, %rem3A, %ne3A_94 : i32
              %and3A = arith.andi %ne3A, %ne3A_95 : i1
              %sub3A_96 = arith.constant 1 : i32
              %sub3A_97 = arith.subi %div3A, %sub3A_96 : i32
              %select_n3A = arith.select %and3A, %sub3A_97, %div3A : i32
              %while3A = arith.constant 0 : i32
              %while3A_98 = arith.constant 0 : i32
              %while3A_99 = arith.subi %select_n3A, %while3A_98 : i32
              %while3A_100 = arith.addi %while3A_98, %while3A_99 : i32
              %while3A_101 = arith.constant 1 : i32
              %while3A_102 = arith.divsi %while3A_99, %while3A_101 : i32
              %while3A_103 = arith.muli %while3A_102, %while3A_101 : i32
              %while3A_104 = arith.addi %while3A_98, %while3A_103 : i32
              %while3A_105 = arith.constant 1 : i32
              scf.for %while3A_108 = %while3A_98 to %while3A_104 step %while3A_105  : i32 {
                %scan3A_109 = arith.constant 0 : i32
                %scan3A_110 = arith.constant 16 : i32
                %scan3A_111 = arith.addi %scan3A_109, %scan3A_110 : i32
                %scan3A_112 = arith.constant 1 : i32
                scf.for %scan3A_114 = %scan3A_109 to %scan3A_111 step %scan3A_112  : i32 {
                  %mul3A_115 = arith.constant 1 : i32
                  %mul3A_116 = arith.muli %scan3A_114, %mul3A_115 : i32
                  %add3A_117 = arith.constant 0 : i32
                  %add3A_118 = arith.addi %add3A_117, %mul3A_116 : i32
                  %mul3A_119 = arith.constant 256 : i32
                  %mul3A_120 = arith.muli %while3A_108, %mul3A_119 : i32
                  %mul3A_121 = arith.constant 16 : i32
                  %mul3A_122 = arith.muli %add3A_118, %mul3A_121 : i32
                  %add3A_123 = arith.addi %mul3A_120, %mul3A_122 : i32
                  %get3A = arith.index_cast %add3A_123 : i32 to index
                  %get3A_124 = tpu.vector_load %arg7[%get3A] {strides = array<i32>} : memref<8952xi32, #tpu.memory_space<vmem>>, vector<16xi32>,
                  %mul3A_125 = arith.constant 16 : i32
                  %mul3A_126 = arith.muli %add3A_118, %mul3A_125 : i32
                  %swap3A = arith.index_cast %mul3A_126 : i32 to index
                  %swap3A_127 = tpu.vector_load %arg9[%swap3A] {strides = array<i32>} : memref<256xi32, #tpu.memory_space<vmem>>, vector<16xi32>,
                  tpu.vector_store %arg9[%swap3A], %get3A_124 {strides = array<i32>} : memref<256xi32, #tpu.memory_space<vmem>>, vector<16xi32>,
                  %mul3A_128 = arith.constant 256 : i32
                  %mul3A_129 = arith.muli %while3A_108, %mul3A_128 : i32
                  %mul3A_130 = arith.constant 16 : i32
                  %mul3A_131 = arith.muli %add3A_118, %mul3A_130 : i32
                  %add3A_132 = arith.addi %mul3A_129, %mul3A_131 : i32
                  %get3A_133 = arith.index_cast %add3A_132 : i32 to index
                  %get3A_134 = tpu.vector_load %arg8[%get3A_133] {strides = array<i32>} : memref<8952xi32, #tpu.memory_space<vmem>>, vector<16xi32>,
                  %mul3A_135 = arith.constant 16 : i32
                  %mul3A_136 = arith.muli %add3A_118, %mul3A_135 : i32
                  %swap3A_137 = arith.index_cast %mul3A_136 : i32 to index
                  %swap3A_138 = tpu.vector_load %arg10[%swap3A_137] {strides = array<i32>} : memref<256xi32, #tpu.memory_space<vmem>>, vector<16xi32>,
                  tpu.vector_store %arg10[%swap3A_137], %get3A_134 {strides = array<i32>} : memref<256xi32, #tpu.memory_space<vmem>>, vector<16xi32>,
                }
                %scan3A_113 = arith.constant 16 : i32
                "tpu.region"() ({
                  %run_scoped3A = tpu.sem_alloc : memref<!tpu.dma_semaphore, #tpu.memory_space<semaphore_mem>>
                  %dma_start3A = arith.constant 0 : i32
                  %dma_start3A_114 = arith.constant 0 : i32
                  %dma_start3A_115 = tpu.memref_slice %arg2[%dma_start3A, %dma_start3A_114] : memref<640000x128xf32, #tpu.memory_space<hbm>> -> memref<640000x128xf32, #tpu.memory_space<hbm>>
                  tpu.enqueue_indirect_dma source(%dma_start3A_115 : memref<640000x128xf32, #tpu.memory_space<hbm>>) target(%arg11 : memref<256x128xf32, #tpu.memory_space<vmem>>) offsets(%arg9 : memref<256xi32, #tpu.memory_space<vmem>>) semaphore(%run_scoped3A : memref<!tpu.dma_semaphore, #tpu.memory_space<semaphore_mem>>)
                  %dma_wait3A = arith.constant 0 : i32
                  %dma_wait3A_116 = arith.constant 0 : i32
                  %dma_wait3A_117 = tpu.memref_slice %arg2[%dma_wait3A, %dma_wait3A_116] : memref<640000x128xf32, #tpu.memory_space<hbm>> -> memref<640000x128xf32, #tpu.memory_space<hbm>>
                  tpu.wait_indirect_dma semaphore(%run_scoped3A : memref<!tpu.dma_semaphore, #tpu.memory_space<semaphore_mem>>) src(%dma_wait3A_117 : memref<640000x128xf32, #tpu.memory_space<hbm>>) dst(%arg11 : memref<256x128xf32, #tpu.memory_space<vmem>>)
                  tpu.yield
                }) : () -> ()
                "tpu.region"() ({
                  %run_scoped3A = tpu.sem_alloc : memref<!tpu.dma_semaphore, #tpu.memory_space<semaphore_mem>>
                  %dma_start3A = arith.constant 0 : i32
                  %dma_start3A_114 = arith.constant 0 : i32
                  %dma_start3A_115 = tpu.memref_slice %arg12[%dma_start3A, %dma_start3A_114] : memref<6528x128xf32, #tpu.memory_space<vmem_shared>> -> memref<6528x128xf32, #tpu.memory_space<vmem_shared>>
                  tpu.enqueue_indirect_dma source(%arg11 : memref<256x128xf32, #tpu.memory_space<vmem>>) target(%dma_start3A_115 : memref<6528x128xf32, #tpu.memory_space<vmem_shared>>) offsets(%arg10 : memref<256xi32, #tpu.memory_space<vmem>>) semaphore(%run_scoped3A : memref<!tpu.dma_semaphore, #tpu.memory_space<semaphore_mem>>) {add = true}
                  %dma_wait3A = arith.constant 0 : i32
                  %dma_wait3A_116 = arith.constant 0 : i32
                  %dma_wait3A_117 = tpu.memref_slice %arg12[%dma_wait3A, %dma_wait3A_116] : memref<6528x128xf32, #tpu.memory_space<vmem_shared>> -> memref<6528x128xf32, #tpu.memory_space<vmem_shared>>
                  tpu.wait_indirect_dma semaphore(%run_scoped3A : memref<!tpu.dma_semaphore, #tpu.memory_space<semaphore_mem>>) src(%arg11 : memref<256x128xf32, #tpu.memory_space<vmem>>) dst(%dma_wait3A_117 : memref<6528x128xf32, #tpu.memory_space<vmem_shared>>)
                  tpu.yield
                }) : () -> ()
              }
              %while3A_106 = arith.constant 1 : i32
              scf.for %while3A_108 = %while3A_104 to %while3A_100 step %while3A_106  : i32 {
                %scan3A_109 = arith.constant 0 : i32
                %scan3A_110 = arith.constant 16 : i32
                %scan3A_111 = arith.addi %scan3A_109, %scan3A_110 : i32
                %scan3A_112 = arith.constant 1 : i32
                scf.for %scan3A_114 = %scan3A_109 to %scan3A_111 step %scan3A_112  : i32 {
                  %mul3A_115 = arith.constant 1 : i32
                  %mul3A_116 = arith.muli %scan3A_114, %mul3A_115 : i32
                  %add3A_117 = arith.constant 0 : i32
                  %add3A_118 = arith.addi %add3A_117, %mul3A_116 : i32
                  %mul3A_119 = arith.constant 256 : i32
                  %mul3A_120 = arith.muli %while3A_108, %mul3A_119 : i32
                  %mul3A_121 = arith.constant 16 : i32
                  %mul3A_122 = arith.muli %add3A_118, %mul3A_121 : i32
                  %add3A_123 = arith.addi %mul3A_120, %mul3A_122 : i32
                  %get3A = arith.index_cast %add3A_123 : i32 to index
                  %get3A_124 = tpu.vector_load %arg7[%get3A] {strides = array<i32>} : memref<8952xi32, #tpu.memory_space<vmem>>, vector<16xi32>,
                  %mul3A_125 = arith.constant 16 : i32
                  %mul3A_126 = arith.muli %add3A_118, %mul3A_125 : i32
                  %swap3A = arith.index_cast %mul3A_126 : i32 to index
                  %swap3A_127 = tpu.vector_load %arg9[%swap3A] {strides = array<i32>} : memref<256xi32, #tpu.memory_space<vmem>>, vector<16xi32>,
                  tpu.vector_store %arg9[%swap3A], %get3A_124 {strides = array<i32>} : memref<256xi32, #tpu.memory_space<vmem>>, vector<16xi32>,
                  %mul3A_128 = arith.constant 256 : i32
                  %mul3A_129 = arith.muli %while3A_108, %mul3A_128 : i32
                  %mul3A_130 = arith.constant 16 : i32
                  %mul3A_131 = arith.muli %add3A_118, %mul3A_130 : i32
                  %add3A_132 = arith.addi %mul3A_129, %mul3A_131 : i32
                  %get3A_133 = arith.index_cast %add3A_132 : i32 to index
                  %get3A_134 = tpu.vector_load %arg8[%get3A_133] {strides = array<i32>} : memref<8952xi32, #tpu.memory_space<vmem>>, vector<16xi32>,
                  %mul3A_135 = arith.constant 16 : i32
                  %mul3A_136 = arith.muli %add3A_118, %mul3A_135 : i32
                  %swap3A_137 = arith.index_cast %mul3A_136 : i32 to index
                  %swap3A_138 = tpu.vector_load %arg10[%swap3A_137] {strides = array<i32>} : memref<256xi32, #tpu.memory_space<vmem>>, vector<16xi32>,
                  tpu.vector_store %arg10[%swap3A_137], %get3A_134 {strides = array<i32>} : memref<256xi32, #tpu.memory_space<vmem>>, vector<16xi32>,
                }
                %scan3A_113 = arith.constant 16 : i32
                "tpu.region"() ({
                  %run_scoped3A = tpu.sem_alloc : memref<!tpu.dma_semaphore, #tpu.memory_space<semaphore_mem>>
                  %dma_start3A = arith.constant 0 : i32
                  %dma_start3A_114 = arith.constant 0 : i32
                  %dma_start3A_115 = tpu.memref_slice %arg2[%dma_start3A, %dma_start3A_114] : memref<640000x128xf32, #tpu.memory_space<hbm>> -> memref<640000x128xf32, #tpu.memory_space<hbm>>
                  tpu.enqueue_indirect_dma source(%dma_start3A_115 : memref<640000x128xf32, #tpu.memory_space<hbm>>) target(%arg11 : memref<256x128xf32, #tpu.memory_space<vmem>>) offsets(%arg9 : memref<256xi32, #tpu.memory_space<vmem>>) semaphore(%run_scoped3A : memref<!tpu.dma_semaphore, #tpu.memory_space<semaphore_mem>>)
                  %dma_wait3A = arith.constant 0 : i32
                  %dma_wait3A_116 = arith.constant 0 : i32
                  %dma_wait3A_117 = tpu.memref_slice %arg2[%dma_wait3A, %dma_wait3A_116] : memref<640000x128xf32, #tpu.memory_space<hbm>> -> memref<640000x128xf32, #tpu.memory_space<hbm>>
                  tpu.wait_indirect_dma semaphore(%run_scoped3A : memref<!tpu.dma_semaphore, #tpu.memory_space<semaphore_mem>>) src(%dma_wait3A_117 : memref<640000x128xf32, #tpu.memory_space<hbm>>) dst(%arg11 : memref<256x128xf32, #tpu.memory_space<vmem>>)
                  tpu.yield
                }) : () -> ()
                "tpu.region"() ({
                  %run_scoped3A = tpu.sem_alloc : memref<!tpu.dma_semaphore, #tpu.memory_space<semaphore_mem>>
                  %dma_start3A = arith.constant 0 : i32
                  %dma_start3A_114 = arith.constant 0 : i32
                  %dma_start3A_115 = tpu.memref_slice %arg12[%dma_start3A, %dma_start3A_114] : memref<6528x128xf32, #tpu.memory_space<vmem_shared>> -> memref<6528x128xf32, #tpu.memory_space<vmem_shared>>
                  tpu.enqueue_indirect_dma source(%arg11 : memref<256x128xf32, #tpu.memory_space<vmem>>) target(%dma_start3A_115 : memref<6528x128xf32, #tpu.memory_space<vmem_shared>>) offsets(%arg10 : memref<256xi32, #tpu.memory_space<vmem>>) semaphore(%run_scoped3A : memref<!tpu.dma_semaphore, #tpu.memory_space<semaphore_mem>>) {add = true}
                  %dma_wait3A = arith.constant 0 : i32
                  %dma_wait3A_116 = arith.constant 0 : i32
                  %dma_wait3A_117 = tpu.memref_slice %arg12[%dma_wait3A, %dma_wait3A_116] : memref<6528x128xf32, #tpu.memory_space<vmem_shared>> -> memref<6528x128xf32, #tpu.memory_space<vmem_shared>>
                  tpu.wait_indirect_dma semaphore(%run_scoped3A : memref<!tpu.dma_semaphore, #tpu.memory_space<semaphore_mem>>) src(%arg11 : memref<256x128xf32, #tpu.memory_space<vmem>>) dst(%dma_wait3A_117 : memref<6528x128xf32, #tpu.memory_space<vmem_shared>>)
                  tpu.yield
                }) : () -> ()
              }
              %cond3A_107 = arith.constant 0 : i32
              scf.yield %cond3A_107 : i32
            } else {
              scf.yield %scan3A_65 : i32
            }
            scf.yield %cond3A_71 : i32
          }
          %scan3A_58 = arith.constant 20 : i32
          scf.yield %scan3A_57 : i32
        }
        %scan3A_37 = arith.constant 5 : i32
        %gt3A = arith.constant 0 : i32
        %gt3A_38 = arith.cmpi sgt, %scan3A_36, %gt3A : i32
        %convert_element_type3A_39 = arith.extui %gt3A_38 : i1 to i32
        %cond3A_40 = arith.constant 0 : i32
        %cond3A_41 = arith.cmpi ne, %convert_element_type3A_39, %cond3A_40 : i32
        %cond3A_42 = scf.if %cond3A_41 -> (i32) {
          %scan3A_48 = arith.constant 0 : i32
          %scan3A_49 = arith.constant 16 : i32
          %scan3A_50 = arith.addi %scan3A_48, %scan3A_49 : i32
          %scan3A_51 = arith.constant 1 : i32
          scf.for %scan3A_84 = %scan3A_48 to %scan3A_50 step %scan3A_51  : i32 {
            %mul3A_85 = arith.constant 1 : i32
            %mul3A_86 = arith.muli %scan3A_84, %mul3A_85 : i32
            %add3A_87 = arith.constant 0 : i32
            %add3A_88 = arith.addi %add3A_87, %mul3A_86 : i32
            %mul3A_89 = arith.constant 16 : i32
            %mul3A_90 = arith.muli %add3A_88, %mul3A_89 : i32
            %add3A_91 = arith.addi %scan3A_36, %mul3A_90 : i32
            %swap3A = arith.index_cast %add3A_91 : i32 to index
            %swap3A_92 = tpu.vector_load %arg7[%swap3A] {strides = array<i32>} : memref<8952xi32, #tpu.memory_space<vmem>>, vector<16xi32>,
            tpu.vector_store %arg7[%swap3A], %iota3A {strides = array<i32>} : memref<8952xi32, #tpu.memory_space<vmem>>, vector<16xi32>,
            %add3A_93 = arith.constant 6400 : i32
            %add3A_94 = vector.broadcast %add3A_93 : i32 to vector<16xi32>
            %add3A_95 = arith.addi %add3A_94, %iota3A : vector<16xi32>
            %swap3A_96 = arith.index_cast %add3A_91 : i32 to index
            %swap3A_97 = tpu.vector_load %arg8[%swap3A_96] {strides = array<i32>} : memref<8952xi32, #tpu.memory_space<vmem>>, vector<16xi32>,
            tpu.vector_store %arg8[%swap3A_96], %add3A_95 {strides = array<i32>} : memref<8952xi32, #tpu.memory_space<vmem>>, vector<16xi32>,
          }
          %scan3A_52 = arith.constant 16 : i32
          %add3A_53 = arith.constant 256 : i32
          %add3A_54 = arith.addi %scan3A_36, %add3A_53 : i32
          %sub3A_55 = arith.constant 1 : i32
          %sub3A_56 = arith.subi %add3A_54, %sub3A_55 : i32
          %jit3A = arith.constant 256 : i32
          %div3A = arith.divsi %sub3A_56, %jit3A : i32
          %sign3A = arith.constant 0 : i32
          %sign3A_57 = arith.cmpi sgt, %sub3A_56, %sign3A : i32
          %sign3A_58 = arith.extui %sign3A_57 : i1 to i32
          %sign3A_59 = arith.constant 0 : i32
          %sign3A_60 = arith.cmpi slt, %sub3A_56, %sign3A_59 : i32
          %sign3A_61 = arith.extui %sign3A_60 : i1 to i32
          %sign3A_62 = arith.subi %sign3A_58, %sign3A_61 : i32
          %sign3A_63 = arith.constant 0 : i32
          %sign3A_64 = arith.cmpi sgt, %jit3A, %sign3A_63 : i32
          %sign3A_65 = arith.extui %sign3A_64 : i1 to i32
          %sign3A_66 = arith.constant 0 : i32
          %sign3A_67 = arith.cmpi slt, %jit3A, %sign3A_66 : i32
          %sign3A_68 = arith.extui %sign3A_67 : i1 to i32
          %sign3A_69 = arith.subi %sign3A_65, %sign3A_68 : i32
          %ne3A = arith.cmpi ne, %sign3A_62, %sign3A_69 : i32
          %rem3A = arith.remsi %sub3A_56, %jit3A : i32
          %ne3A_70 = arith.constant 0 : i32
          %ne3A_71 = arith.cmpi ne, %rem3A, %ne3A_70 : i32
          %and3A = arith.andi %ne3A, %ne3A_71 : i1
          %sub3A_72 = arith.constant 1 : i32
          %sub3A_73 = arith.subi %div3A, %sub3A_72 : i32
          %select_n3A = arith.select %and3A, %sub3A_73, %div3A : i32
          %while3A = arith.constant 0 : i32
          %while3A_74 = arith.constant 0 : i32
          %while3A_75 = arith.subi %select_n3A, %while3A_74 : i32
          %while3A_76 = arith.addi %while3A_74, %while3A_75 : i32
          %while3A_77 = arith.constant 1 : i32
          %while3A_78 = arith.divsi %while3A_75, %while3A_77 : i32
          %while3A_79 = arith.muli %while3A_78, %while3A_77 : i32
          %while3A_80 = arith.addi %while3A_74, %while3A_79 : i32
          %while3A_81 = arith.constant 1 : i32
          scf.for %while3A_84 = %while3A_74 to %while3A_80 step %while3A_81  : i32 {
            %scan3A_85 = arith.constant 0 : i32
            %scan3A_86 = arith.constant 16 : i32
            %scan3A_87 = arith.addi %scan3A_85, %scan3A_86 : i32
            %scan3A_88 = arith.constant 1 : i32
            scf.for %scan3A_90 = %scan3A_85 to %scan3A_87 step %scan3A_88  : i32 {
              %mul3A_91 = arith.constant 1 : i32
              %mul3A_92 = arith.muli %scan3A_90, %mul3A_91 : i32
              %add3A_93 = arith.constant 0 : i32
              %add3A_94 = arith.addi %add3A_93, %mul3A_92 : i32
              %mul3A_95 = arith.constant 256 : i32
              %mul3A_96 = arith.muli %while3A_84, %mul3A_95 : i32
              %mul3A_97 = arith.constant 16 : i32
              %mul3A_98 = arith.muli %add3A_94, %mul3A_97 : i32
              %add3A_99 = arith.addi %mul3A_96, %mul3A_98 : i32
              %get3A = arith.index_cast %add3A_99 : i32 to index
              %get3A_100 = tpu.vector_load %arg7[%get3A] {strides = array<i32>} : memref<8952xi32, #tpu.memory_space<vmem>>, vector<16xi32>,
              %mul3A_101 = arith.constant 16 : i32
              %mul3A_102 = arith.muli %add3A_94, %mul3A_101 : i32
              %swap3A = arith.index_cast %mul3A_102 : i32 to index
              %swap3A_103 = tpu.vector_load %arg9[%swap3A] {strides = array<i32>} : memref<256xi32, #tpu.memory_space<vmem>>, vector<16xi32>,
              tpu.vector_store %arg9[%swap3A], %get3A_100 {strides = array<i32>} : memref<256xi32, #tpu.memory_space<vmem>>, vector<16xi32>,
              %mul3A_104 = arith.constant 256 : i32
              %mul3A_105 = arith.muli %while3A_84, %mul3A_104 : i32
              %mul3A_106 = arith.constant 16 : i32
              %mul3A_107 = arith.muli %add3A_94, %mul3A_106 : i32
              %add3A_108 = arith.addi %mul3A_105, %mul3A_107 : i32
              %get3A_109 = arith.index_cast %add3A_108 : i32 to index
              %get3A_110 = tpu.vector_load %arg8[%get3A_109] {strides = array<i32>} : memref<8952xi32, #tpu.memory_space<vmem>>, vector<16xi32>,
              %mul3A_111 = arith.constant 16 : i32
              %mul3A_112 = arith.muli %add3A_94, %mul3A_111 : i32
              %swap3A_113 = arith.index_cast %mul3A_112 : i32 to index
              %swap3A_114 = tpu.vector_load %arg10[%swap3A_113] {strides = array<i32>} : memref<256xi32, #tpu.memory_space<vmem>>, vector<16xi32>,
              tpu.vector_store %arg10[%swap3A_113], %get3A_110 {strides = array<i32>} : memref<256xi32, #tpu.memory_space<vmem>>, vector<16xi32>,
            }
            %scan3A_89 = arith.constant 16 : i32
            "tpu.region"() ({
              %run_scoped3A = tpu.sem_alloc : memref<!tpu.dma_semaphore, #tpu.memory_space<semaphore_mem>>
              %dma_start3A = arith.constant 0 : i32
              %dma_start3A_90 = arith.constant 0 : i32
              %dma_start3A_91 = tpu.memref_slice %arg2[%dma_start3A, %dma_start3A_90] : memref<640000x128xf32, #tpu.memory_space<hbm>> -> memref<640000x128xf32, #tpu.memory_space<hbm>>
              tpu.enqueue_indirect_dma source(%dma_start3A_91 : memref<640000x128xf32, #tpu.memory_space<hbm>>) target(%arg11 : memref<256x128xf32, #tpu.memory_space<vmem>>) offsets(%arg9 : memref<256xi32, #tpu.memory_space<vmem>>) semaphore(%run_scoped3A : memref<!tpu.dma_semaphore, #tpu.memory_space<semaphore_mem>>)
              %dma_wait3A = arith.constant 0 : i32
              %dma_wait3A_92 = arith.constant 0 : i32
              %dma_wait3A_93 = tpu.memref_slice %arg2[%dma_wait3A, %dma_wait3A_92] : memref<640000x128xf32, #tpu.memory_space<hbm>> -> memref<640000x128xf32, #tpu.memory_space<hbm>>
              tpu.wait_indirect_dma semaphore(%run_scoped3A : memref<!tpu.dma_semaphore, #tpu.memory_space<semaphore_mem>>) src(%dma_wait3A_93 : memref<640000x128xf32, #tpu.memory_space<hbm>>) dst(%arg11 : memref<256x128xf32, #tpu.memory_space<vmem>>)
              tpu.yield
            }) : () -> ()
            "tpu.region"() ({
              %run_scoped3A = tpu.sem_alloc : memref<!tpu.dma_semaphore, #tpu.memory_space<semaphore_mem>>
              %dma_start3A = arith.constant 0 : i32
              %dma_start3A_90 = arith.constant 0 : i32
              %dma_start3A_91 = tpu.memref_slice %arg12[%dma_start3A, %dma_start3A_90] : memref<6528x128xf32, #tpu.memory_space<vmem_shared>> -> memref<6528x128xf32, #tpu.memory_space<vmem_shared>>
              tpu.enqueue_indirect_dma source(%arg11 : memref<256x128xf32, #tpu.memory_space<vmem>>) target(%dma_start3A_91 : memref<6528x128xf32, #tpu.memory_space<vmem_shared>>) offsets(%arg10 : memref<256xi32, #tpu.memory_space<vmem>>) semaphore(%run_scoped3A : memref<!tpu.dma_semaphore, #tpu.memory_space<semaphore_mem>>) {add = true}
              %dma_wait3A = arith.constant 0 : i32
              %dma_wait3A_92 = arith.constant 0 : i32
              %dma_wait3A_93 = tpu.memref_slice %arg12[%dma_wait3A, %dma_wait3A_92] : memref<6528x128xf32, #tpu.memory_space<vmem_shared>> -> memref<6528x128xf32, #tpu.memory_space<vmem_shared>>
              tpu.wait_indirect_dma semaphore(%run_scoped3A : memref<!tpu.dma_semaphore, #tpu.memory_space<semaphore_mem>>) src(%arg11 : memref<256x128xf32, #tpu.memory_space<vmem>>) dst(%dma_wait3A_93 : memref<6528x128xf32, #tpu.memory_space<vmem_shared>>)
              tpu.yield
            }) : () -> ()
          }
          %while3A_82 = arith.constant 1 : i32
          scf.for %while3A_84 = %while3A_80 to %while3A_76 step %while3A_82  : i32 {
            %scan3A_85 = arith.constant 0 : i32
            %scan3A_86 = arith.constant 16 : i32
            %scan3A_87 = arith.addi %scan3A_85, %scan3A_86 : i32
            %scan3A_88 = arith.constant 1 : i32
            scf.for %scan3A_90 = %scan3A_85 to %scan3A_87 step %scan3A_88  : i32 {
              %mul3A_91 = arith.constant 1 : i32
              %mul3A_92 = arith.muli %scan3A_90, %mul3A_91 : i32
              %add3A_93 = arith.constant 0 : i32
              %add3A_94 = arith.addi %add3A_93, %mul3A_92 : i32
              %mul3A_95 = arith.constant 256 : i32
              %mul3A_96 = arith.muli %while3A_84, %mul3A_95 : i32
              %mul3A_97 = arith.constant 16 : i32
              %mul3A_98 = arith.muli %add3A_94, %mul3A_97 : i32
              %add3A_99 = arith.addi %mul3A_96, %mul3A_98 : i32
              %get3A = arith.index_cast %add3A_99 : i32 to index
              %get3A_100 = tpu.vector_load %arg7[%get3A] {strides = array<i32>} : memref<8952xi32, #tpu.memory_space<vmem>>, vector<16xi32>,
              %mul3A_101 = arith.constant 16 : i32
              %mul3A_102 = arith.muli %add3A_94, %mul3A_101 : i32
              %swap3A = arith.index_cast %mul3A_102 : i32 to index
              %swap3A_103 = tpu.vector_load %arg9[%swap3A] {strides = array<i32>} : memref<256xi32, #tpu.memory_space<vmem>>, vector<16xi32>,
              tpu.vector_store %arg9[%swap3A], %get3A_100 {strides = array<i32>} : memref<256xi32, #tpu.memory_space<vmem>>, vector<16xi32>,
              %mul3A_104 = arith.constant 256 : i32
              %mul3A_105 = arith.muli %while3A_84, %mul3A_104 : i32
              %mul3A_106 = arith.constant 16 : i32
              %mul3A_107 = arith.muli %add3A_94, %mul3A_106 : i32
              %add3A_108 = arith.addi %mul3A_105, %mul3A_107 : i32
              %get3A_109 = arith.index_cast %add3A_108 : i32 to index
              %get3A_110 = tpu.vector_load %arg8[%get3A_109] {strides = array<i32>} : memref<8952xi32, #tpu.memory_space<vmem>>, vector<16xi32>,
              %mul3A_111 = arith.constant 16 : i32
              %mul3A_112 = arith.muli %add3A_94, %mul3A_111 : i32
              %swap3A_113 = arith.index_cast %mul3A_112 : i32 to index
              %swap3A_114 = tpu.vector_load %arg10[%swap3A_113] {strides = array<i32>} : memref<256xi32, #tpu.memory_space<vmem>>, vector<16xi32>,
              tpu.vector_store %arg10[%swap3A_113], %get3A_110 {strides = array<i32>} : memref<256xi32, #tpu.memory_space<vmem>>, vector<16xi32>,
            }
            %scan3A_89 = arith.constant 16 : i32
            "tpu.region"() ({
              %run_scoped3A = tpu.sem_alloc : memref<!tpu.dma_semaphore, #tpu.memory_space<semaphore_mem>>
              %dma_start3A = arith.constant 0 : i32
              %dma_start3A_90 = arith.constant 0 : i32
              %dma_start3A_91 = tpu.memref_slice %arg2[%dma_start3A, %dma_start3A_90] : memref<640000x128xf32, #tpu.memory_space<hbm>> -> memref<640000x128xf32, #tpu.memory_space<hbm>>
              tpu.enqueue_indirect_dma source(%dma_start3A_91 : memref<640000x128xf32, #tpu.memory_space<hbm>>) target(%arg11 : memref<256x128xf32, #tpu.memory_space<vmem>>) offsets(%arg9 : memref<256xi32, #tpu.memory_space<vmem>>) semaphore(%run_scoped3A : memref<!tpu.dma_semaphore, #tpu.memory_space<semaphore_mem>>)
              %dma_wait3A = arith.constant 0 : i32
              %dma_wait3A_92 = arith.constant 0 : i32
              %dma_wait3A_93 = tpu.memref_slice %arg2[%dma_wait3A, %dma_wait3A_92] : memref<640000x128xf32, #tpu.memory_space<hbm>> -> memref<640000x128xf32, #tpu.memory_space<hbm>>
              tpu.wait_indirect_dma semaphore(%run_scoped3A : memref<!tpu.dma_semaphore, #tpu.memory_space<semaphore_mem>>) src(%dma_wait3A_93 : memref<640000x128xf32, #tpu.memory_space<hbm>>) dst(%arg11 : memref<256x128xf32, #tpu.memory_space<vmem>>)
              tpu.yield
            }) : () -> ()
            "tpu.region"() ({
              %run_scoped3A = tpu.sem_alloc : memref<!tpu.dma_semaphore, #tpu.memory_space<semaphore_mem>>
              %dma_start3A = arith.constant 0 : i32
              %dma_start3A_90 = arith.constant 0 : i32
              %dma_start3A_91 = tpu.memref_slice %arg12[%dma_start3A, %dma_start3A_90] : memref<6528x128xf32, #tpu.memory_space<vmem_shared>> -> memref<6528x128xf32, #tpu.memory_space<vmem_shared>>
              tpu.enqueue_indirect_dma source(%arg11 : memref<256x128xf32, #tpu.memory_space<vmem>>) target(%dma_start3A_91 : memref<6528x128xf32, #tpu.memory_space<vmem_shared>>) offsets(%arg10 : memref<256xi32, #tpu.memory_space<vmem>>) semaphore(%run_scoped3A : memref<!tpu.dma_semaphore, #tpu.memory_space<semaphore_mem>>) {add = true}
              %dma_wait3A = arith.constant 0 : i32
              %dma_wait3A_92 = arith.constant 0 : i32
              %dma_wait3A_93 = tpu.memref_slice %arg12[%dma_wait3A, %dma_wait3A_92] : memref<6528x128xf32, #tpu.memory_space<vmem_shared>> -> memref<6528x128xf32, #tpu.memory_space<vmem_shared>>
              tpu.wait_indirect_dma semaphore(%run_scoped3A : memref<!tpu.dma_semaphore, #tpu.memory_space<semaphore_mem>>) src(%arg11 : memref<256x128xf32, #tpu.memory_space<vmem>>) dst(%dma_wait3A_93 : memref<6528x128xf32, #tpu.memory_space<vmem_shared>>)
              tpu.yield
            }) : () -> ()
          }
          %cond3A_83 = arith.constant 0 : i32
          scf.yield %cond3A_83 : i32
        } else {
          %cond3A_48 = arith.constant 0 : i32
          scf.yield %cond3A_48 : i32
        }
        %barrier3A_43 = arith.constant 0 : index
        tpu.barrier barrier_id(%barrier3A_43)
        %mul3A_44 = arith.constant 400 : i32
        %mul3A_45 = arith.muli %arg1, %mul3A_44 : i32
        %add3A_46 = arith.addi %mul3A_13, %mul3A_45 : i32
        "tpu.region"() ({
          %run_scoped3A = tpu.sem_alloc : memref<!tpu.dma_semaphore, #tpu.memory_space<semaphore_mem>>
          %dma_start3A = arith.constant 0 : i32
          %dma_start3A_48 = tpu.memref_slice %arg5[%add3A_46, %dma_start3A] : memref<160000x128xf32, #tpu.memory_space<hbm>> -> memref<400x128xf32, #tpu.memory_space<hbm>>
          %dma_start3A_49 = arith.constant 0 : i32
          %dma_start3A_50 = tpu.memref_slice %arg12[%mul3A_45, %dma_start3A_49] : memref<6528x128xf32, #tpu.memory_space<vmem_shared>> -> memref<400x128xf32, #tpu.memory_space<vmem_shared>>
          tpu.enqueue_dma source(%dma_start3A_50 : memref<400x128xf32, #tpu.memory_space<vmem_shared>>) target(%dma_start3A_48 : memref<400x128xf32, #tpu.memory_space<hbm>>) target_semaphore(%run_scoped3A : memref<!tpu.dma_semaphore, #tpu.memory_space<semaphore_mem>>)
          %dma_wait3A = arith.constant 0 : i32
          %dma_wait3A_51 = tpu.memref_slice %arg5[%add3A_46, %dma_wait3A] : memref<160000x128xf32, #tpu.memory_space<hbm>> -> memref<400x128xf32, #tpu.memory_space<hbm>>
          %dma_wait3A_52 = arith.constant 0 : i32
          %dma_wait3A_53 = tpu.memref_slice %arg12[%mul3A_45, %dma_wait3A_52] : memref<6528x128xf32, #tpu.memory_space<vmem_shared>> -> memref<400x128xf32, #tpu.memory_space<vmem_shared>>
          tpu.wait_dma2 semaphore(%run_scoped3A : memref<!tpu.dma_semaphore, #tpu.memory_space<semaphore_mem>>) src(%dma_wait3A_53 : memref<400x128xf32, #tpu.memory_space<vmem_shared>>) dst(%dma_wait3A_51 : memref<400x128xf32, #tpu.memory_space<hbm>>)
          tpu.yield
        }) : () -> ()
        %barrier3A_47 = arith.constant 0 : index
        tpu.barrier barrier_id(%barrier3A_47)
      } else {
      }
    }
    %scan3A_4 = arith.constant 13 : i32
    return
  }
}

#map = affine_map<(d0, d1) -> (0, 0)>
#map1 = affine_map<(d0, d1) -> (0)>
module attributes {stable_mosaic.version = 14 : i64} {
  func.func @kern(%arg0: i32, %arg1: i32, %arg2: memref<160000x128xf32, #tpu.memory_space<hbm>>, %arg3: memref<160000x128xf32, #tpu.memory_space<hbm>>, %arg4: memref<640000xi32, #tpu.memory_space<hbm>>, %arg5: memref<640000xi32, #tpu.memory_space<hbm>>, %arg6: memref<640000x128xf32, #tpu.memory_space<hbm>>, %arg7: memref<640000x128xf32, #tpu.memory_space<hbm>>, %arg8: memref<640000x128xf32, #tpu.memory_space<hbm>>, %arg9: memref<20000xi32, #tpu.memory_space<vmem>>, %arg10: memref<20000xi32, #tpu.memory_space<vmem>>, %arg11: memref<160x128xf32, #tpu.memory_space<vmem>>, %arg12: memref<160x128xf32, #tpu.memory_space<vmem>>, %arg13: memref<160x128xf32, #tpu.memory_space<vmem>>) attributes {dimension_semantics = [#tpu.dimension_semantics<core_parallel>, #tpu.dimension_semantics<subcore_parallel>], iteration_bounds = array<i64: 2, 16>, scalar_prefetch = 0 : i64, scratch_operands = 5 : i64, tpu.core_type = #tpu.core_type<sc_vector_subcore>, window_params = [{transform_indices = #map}, {transform_indices = #map}, {transform_indices = #map1}, {transform_indices = #map1}, {transform_indices = #map}, {transform_indices = #map}, {transform_indices = #map}]} {
    %mul3A = arith.constant 2 : i32
    %mul3A_0 = arith.muli %arg1, %mul3A : i32
    %add3A = arith.addi %mul3A_0, %arg0 : i32
    %mul3A_1 = arith.constant 20000 : i32
    %mul3A_2 = arith.muli %add3A, %mul3A_1 : i32
    "tpu.region"() ({
      %run_scoped3A = tpu.sem_alloc : memref<!tpu.dma_semaphore, #tpu.memory_space<semaphore_mem>>
      %dma_start3A = tpu.memref_slice %arg4[%mul3A_2] : memref<640000xi32, #tpu.memory_space<hbm>> -> memref<20000xi32, #tpu.memory_space<hbm>>
      %dma_start3A_7 = tpu.memref_slice %arg4[%mul3A_2] : memref<640000xi32, #tpu.memory_space<hbm>> -> memref<20000xi32, #tpu.memory_space<hbm>>
      tpu.enqueue_dma source(%dma_start3A_7 : memref<20000xi32, #tpu.memory_space<hbm>>) target(%arg9 : memref<20000xi32, #tpu.memory_space<vmem>>) target_semaphore(%run_scoped3A : memref<!tpu.dma_semaphore, #tpu.memory_space<semaphore_mem>>)
      %dma_wait3A = tpu.memref_slice %arg4[%mul3A_2] : memref<640000xi32, #tpu.memory_space<hbm>> -> memref<20000xi32, #tpu.memory_space<hbm>>
      %dma_wait3A_8 = tpu.memref_slice %arg4[%mul3A_2] : memref<640000xi32, #tpu.memory_space<hbm>> -> memref<20000xi32, #tpu.memory_space<hbm>>
      tpu.wait_dma2 semaphore(%run_scoped3A : memref<!tpu.dma_semaphore, #tpu.memory_space<semaphore_mem>>) src(%dma_wait3A_8 : memref<20000xi32, #tpu.memory_space<hbm>>) dst(%arg9 : memref<20000xi32, #tpu.memory_space<vmem>>)
      tpu.yield
    }) : () -> ()
    "tpu.region"() ({
      %run_scoped3A = tpu.sem_alloc : memref<!tpu.dma_semaphore, #tpu.memory_space<semaphore_mem>>
      %dma_start3A = tpu.memref_slice %arg5[%mul3A_2] : memref<640000xi32, #tpu.memory_space<hbm>> -> memref<20000xi32, #tpu.memory_space<hbm>>
      %dma_start3A_7 = tpu.memref_slice %arg5[%mul3A_2] : memref<640000xi32, #tpu.memory_space<hbm>> -> memref<20000xi32, #tpu.memory_space<hbm>>
      tpu.enqueue_dma source(%dma_start3A_7 : memref<20000xi32, #tpu.memory_space<hbm>>) target(%arg10 : memref<20000xi32, #tpu.memory_space<vmem>>) target_semaphore(%run_scoped3A : memref<!tpu.dma_semaphore, #tpu.memory_space<semaphore_mem>>)
      %dma_wait3A = tpu.memref_slice %arg5[%mul3A_2] : memref<640000xi32, #tpu.memory_space<hbm>> -> memref<20000xi32, #tpu.memory_space<hbm>>
      %dma_wait3A_8 = tpu.memref_slice %arg5[%mul3A_2] : memref<640000xi32, #tpu.memory_space<hbm>> -> memref<20000xi32, #tpu.memory_space<hbm>>
      tpu.wait_dma2 semaphore(%run_scoped3A : memref<!tpu.dma_semaphore, #tpu.memory_space<semaphore_mem>>) src(%dma_wait3A_8 : memref<20000xi32, #tpu.memory_space<hbm>>) dst(%arg10 : memref<20000xi32, #tpu.memory_space<vmem>>)
      tpu.yield
    }) : () -> ()
    %scan3A = arith.constant 0 : i32
    %scan3A_3 = arith.constant 125 : i32
    %scan3A_4 = arith.addi %scan3A, %scan3A_3 : i32
    %scan3A_5 = arith.constant 1 : i32
    scf.for %scan3A_7 = %scan3A to %scan3A_4 step %scan3A_5  : i32 {
      %mul3A_8 = arith.constant 1 : i32
      %mul3A_9 = arith.muli %scan3A_7, %mul3A_8 : i32
      %add3A_10 = arith.constant 0 : i32
      %add3A_11 = arith.addi %add3A_10, %mul3A_9 : i32
      %mul3A_12 = arith.constant 160 : i32
      %mul3A_13 = arith.muli %add3A_11, %mul3A_12 : i32
      "tpu.region"() ({
        %run_scoped3A = tpu.sem_alloc : memref<!tpu.dma_semaphore, #tpu.memory_space<semaphore_mem>>
        %dma_start3A = tpu.memref_slice %arg9[%mul3A_13] : memref<20000xi32, #tpu.memory_space<vmem>> -> memref<160xi32, #tpu.memory_space<vmem>>
        %dma_start3A_17 = arith.constant 0 : i32
        %dma_start3A_18 = arith.constant 0 : i32
        %dma_start3A_19 = tpu.memref_slice %arg2[%dma_start3A_17, %dma_start3A_18] : memref<160000x128xf32, #tpu.memory_space<hbm>> -> memref<160000x128xf32, #tpu.memory_space<hbm>>
        tpu.enqueue_indirect_dma source(%dma_start3A_19 : memref<160000x128xf32, #tpu.memory_space<hbm>>) target(%arg11 : memref<160x128xf32, #tpu.memory_space<vmem>>) offsets(%dma_start3A : memref<160xi32, #tpu.memory_space<vmem>>) semaphore(%run_scoped3A : memref<!tpu.dma_semaphore, #tpu.memory_space<semaphore_mem>>)
        %dma_wait3A = tpu.memref_slice %arg9[%mul3A_13] : memref<20000xi32, #tpu.memory_space<vmem>> -> memref<160xi32, #tpu.memory_space<vmem>>
        %dma_wait3A_20 = arith.constant 0 : i32
        %dma_wait3A_21 = arith.constant 0 : i32
        %dma_wait3A_22 = tpu.memref_slice %arg2[%dma_wait3A_20, %dma_wait3A_21] : memref<160000x128xf32, #tpu.memory_space<hbm>> -> memref<160000x128xf32, #tpu.memory_space<hbm>>
        tpu.wait_indirect_dma semaphore(%run_scoped3A : memref<!tpu.dma_semaphore, #tpu.memory_space<semaphore_mem>>) src(%dma_wait3A_22 : memref<160000x128xf32, #tpu.memory_space<hbm>>) dst(%arg11 : memref<160x128xf32, #tpu.memory_space<vmem>>)
        tpu.yield
      }) : () -> ()
      "tpu.region"() ({
        %run_scoped3A = tpu.sem_alloc : memref<!tpu.dma_semaphore, #tpu.memory_space<semaphore_mem>>
        %dma_start3A = tpu.memref_slice %arg9[%mul3A_13] : memref<20000xi32, #tpu.memory_space<vmem>> -> memref<160xi32, #tpu.memory_space<vmem>>
        %dma_start3A_17 = arith.constant 0 : i32
        %dma_start3A_18 = arith.constant 0 : i32
        %dma_start3A_19 = tpu.memref_slice %arg3[%dma_start3A_17, %dma_start3A_18] : memref<160000x128xf32, #tpu.memory_space<hbm>> -> memref<160000x128xf32, #tpu.memory_space<hbm>>
        tpu.enqueue_indirect_dma source(%dma_start3A_19 : memref<160000x128xf32, #tpu.memory_space<hbm>>) target(%arg12 : memref<160x128xf32, #tpu.memory_space<vmem>>) offsets(%dma_start3A : memref<160xi32, #tpu.memory_space<vmem>>) semaphore(%run_scoped3A : memref<!tpu.dma_semaphore, #tpu.memory_space<semaphore_mem>>)
        %dma_wait3A = tpu.memref_slice %arg9[%mul3A_13] : memref<20000xi32, #tpu.memory_space<vmem>> -> memref<160xi32, #tpu.memory_space<vmem>>
        %dma_wait3A_20 = arith.constant 0 : i32
        %dma_wait3A_21 = arith.constant 0 : i32
        %dma_wait3A_22 = tpu.memref_slice %arg3[%dma_wait3A_20, %dma_wait3A_21] : memref<160000x128xf32, #tpu.memory_space<hbm>> -> memref<160000x128xf32, #tpu.memory_space<hbm>>
        tpu.wait_indirect_dma semaphore(%run_scoped3A : memref<!tpu.dma_semaphore, #tpu.memory_space<semaphore_mem>>) src(%dma_wait3A_22 : memref<160000x128xf32, #tpu.memory_space<hbm>>) dst(%arg12 : memref<160x128xf32, #tpu.memory_space<vmem>>)
        tpu.yield
      }) : () -> ()
      "tpu.region"() ({
        %run_scoped3A = tpu.sem_alloc : memref<!tpu.dma_semaphore, #tpu.memory_space<semaphore_mem>>
        %dma_start3A = tpu.memref_slice %arg10[%mul3A_13] : memref<20000xi32, #tpu.memory_space<vmem>> -> memref<160xi32, #tpu.memory_space<vmem>>
        %dma_start3A_17 = arith.constant 0 : i32
        %dma_start3A_18 = arith.constant 0 : i32
        %dma_start3A_19 = tpu.memref_slice %arg3[%dma_start3A_17, %dma_start3A_18] : memref<160000x128xf32, #tpu.memory_space<hbm>> -> memref<160000x128xf32, #tpu.memory_space<hbm>>
        tpu.enqueue_indirect_dma source(%dma_start3A_19 : memref<160000x128xf32, #tpu.memory_space<hbm>>) target(%arg13 : memref<160x128xf32, #tpu.memory_space<vmem>>) offsets(%dma_start3A : memref<160xi32, #tpu.memory_space<vmem>>) semaphore(%run_scoped3A : memref<!tpu.dma_semaphore, #tpu.memory_space<semaphore_mem>>)
        %dma_wait3A = tpu.memref_slice %arg10[%mul3A_13] : memref<20000xi32, #tpu.memory_space<vmem>> -> memref<160xi32, #tpu.memory_space<vmem>>
        %dma_wait3A_20 = arith.constant 0 : i32
        %dma_wait3A_21 = arith.constant 0 : i32
        %dma_wait3A_22 = tpu.memref_slice %arg3[%dma_wait3A_20, %dma_wait3A_21] : memref<160000x128xf32, #tpu.memory_space<hbm>> -> memref<160000x128xf32, #tpu.memory_space<hbm>>
        tpu.wait_indirect_dma semaphore(%run_scoped3A : memref<!tpu.dma_semaphore, #tpu.memory_space<semaphore_mem>>) src(%dma_wait3A_22 : memref<160000x128xf32, #tpu.memory_space<hbm>>) dst(%arg13 : memref<160x128xf32, #tpu.memory_space<vmem>>)
        tpu.yield
      }) : () -> ()
      %add3A_14 = arith.addi %mul3A_2, %mul3A_13 : i32
      "tpu.region"() ({
        %run_scoped3A = tpu.sem_alloc : memref<!tpu.dma_semaphore, #tpu.memory_space<semaphore_mem>>
        %dma_start3A = arith.constant 0 : i32
        %dma_start3A_17 = tpu.memref_slice %arg6[%add3A_14, %dma_start3A] : memref<640000x128xf32, #tpu.memory_space<hbm>> -> memref<160x128xf32, #tpu.memory_space<hbm>>
        %dma_start3A_18 = arith.constant 0 : i32
        %dma_start3A_19 = tpu.memref_slice %arg6[%add3A_14, %dma_start3A_18] : memref<640000x128xf32, #tpu.memory_space<hbm>> -> memref<160x128xf32, #tpu.memory_space<hbm>>
        tpu.enqueue_dma source(%arg11 : memref<160x128xf32, #tpu.memory_space<vmem>>) target(%dma_start3A_19 : memref<160x128xf32, #tpu.memory_space<hbm>>) target_semaphore(%run_scoped3A : memref<!tpu.dma_semaphore, #tpu.memory_space<semaphore_mem>>)
        %dma_wait3A = arith.constant 0 : i32
        %dma_wait3A_20 = tpu.memref_slice %arg6[%add3A_14, %dma_wait3A] : memref<640000x128xf32, #tpu.memory_space<hbm>> -> memref<160x128xf32, #tpu.memory_space<hbm>>
        %dma_wait3A_21 = arith.constant 0 : i32
        %dma_wait3A_22 = tpu.memref_slice %arg6[%add3A_14, %dma_wait3A_21] : memref<640000x128xf32, #tpu.memory_space<hbm>> -> memref<160x128xf32, #tpu.memory_space<hbm>>
        tpu.wait_dma2 semaphore(%run_scoped3A : memref<!tpu.dma_semaphore, #tpu.memory_space<semaphore_mem>>) src(%arg11 : memref<160x128xf32, #tpu.memory_space<vmem>>) dst(%dma_wait3A_22 : memref<160x128xf32, #tpu.memory_space<hbm>>)
        tpu.yield
      }) : () -> ()
      %add3A_15 = arith.addi %mul3A_2, %mul3A_13 : i32
      "tpu.region"() ({
        %run_scoped3A = tpu.sem_alloc : memref<!tpu.dma_semaphore, #tpu.memory_space<semaphore_mem>>
        %dma_start3A = arith.constant 0 : i32
        %dma_start3A_17 = tpu.memref_slice %arg7[%add3A_15, %dma_start3A] : memref<640000x128xf32, #tpu.memory_space<hbm>> -> memref<160x128xf32, #tpu.memory_space<hbm>>
        %dma_start3A_18 = arith.constant 0 : i32
        %dma_start3A_19 = tpu.memref_slice %arg7[%add3A_15, %dma_start3A_18] : memref<640000x128xf32, #tpu.memory_space<hbm>> -> memref<160x128xf32, #tpu.memory_space<hbm>>
        tpu.enqueue_dma source(%arg12 : memref<160x128xf32, #tpu.memory_space<vmem>>) target(%dma_start3A_19 : memref<160x128xf32, #tpu.memory_space<hbm>>) target_semaphore(%run_scoped3A : memref<!tpu.dma_semaphore, #tpu.memory_space<semaphore_mem>>)
        %dma_wait3A = arith.constant 0 : i32
        %dma_wait3A_20 = tpu.memref_slice %arg7[%add3A_15, %dma_wait3A] : memref<640000x128xf32, #tpu.memory_space<hbm>> -> memref<160x128xf32, #tpu.memory_space<hbm>>
        %dma_wait3A_21 = arith.constant 0 : i32
        %dma_wait3A_22 = tpu.memref_slice %arg7[%add3A_15, %dma_wait3A_21] : memref<640000x128xf32, #tpu.memory_space<hbm>> -> memref<160x128xf32, #tpu.memory_space<hbm>>
        tpu.wait_dma2 semaphore(%run_scoped3A : memref<!tpu.dma_semaphore, #tpu.memory_space<semaphore_mem>>) src(%arg12 : memref<160x128xf32, #tpu.memory_space<vmem>>) dst(%dma_wait3A_22 : memref<160x128xf32, #tpu.memory_space<hbm>>)
        tpu.yield
      }) : () -> ()
      %add3A_16 = arith.addi %mul3A_2, %mul3A_13 : i32
      "tpu.region"() ({
        %run_scoped3A = tpu.sem_alloc : memref<!tpu.dma_semaphore, #tpu.memory_space<semaphore_mem>>
        %dma_start3A = arith.constant 0 : i32
        %dma_start3A_17 = tpu.memref_slice %arg8[%add3A_16, %dma_start3A] : memref<640000x128xf32, #tpu.memory_space<hbm>> -> memref<160x128xf32, #tpu.memory_space<hbm>>
        %dma_start3A_18 = arith.constant 0 : i32
        %dma_start3A_19 = tpu.memref_slice %arg8[%add3A_16, %dma_start3A_18] : memref<640000x128xf32, #tpu.memory_space<hbm>> -> memref<160x128xf32, #tpu.memory_space<hbm>>
        tpu.enqueue_dma source(%arg13 : memref<160x128xf32, #tpu.memory_space<vmem>>) target(%dma_start3A_19 : memref<160x128xf32, #tpu.memory_space<hbm>>) target_semaphore(%run_scoped3A : memref<!tpu.dma_semaphore, #tpu.memory_space<semaphore_mem>>)
        %dma_wait3A = arith.constant 0 : i32
        %dma_wait3A_20 = tpu.memref_slice %arg8[%add3A_16, %dma_wait3A] : memref<640000x128xf32, #tpu.memory_space<hbm>> -> memref<160x128xf32, #tpu.memory_space<hbm>>
        %dma_wait3A_21 = arith.constant 0 : i32
        %dma_wait3A_22 = tpu.memref_slice %arg8[%add3A_16, %dma_wait3A_21] : memref<640000x128xf32, #tpu.memory_space<hbm>> -> memref<160x128xf32, #tpu.memory_space<hbm>>
        tpu.wait_dma2 semaphore(%run_scoped3A : memref<!tpu.dma_semaphore, #tpu.memory_space<semaphore_mem>>) src(%arg13 : memref<160x128xf32, #tpu.memory_space<vmem>>) dst(%dma_wait3A_22 : memref<160x128xf32, #tpu.memory_space<hbm>>)
        tpu.yield
      }) : () -> ()
    }
    %scan3A_6 = arith.constant 125 : i32
    return
  }
}

module attributes {stable_mosaic.version = 14 : i64} {
  func.func @_phase_a_body(%arg0: i32, %arg1: memref<1000x128xf32, #tpu.memory_space<vmem>>, %arg2: memref<1000x6xf32, #tpu.memory_space<vmem>>, %arg3: memref<1000x3xf32, #tpu.memory_space<vmem>>, %arg4: memref<1000x42xf32, #tpu.memory_space<vmem>>, %arg5: memref<128x128xf32, #tpu.memory_space<vmem>>, %arg6: memref<1x128xf32, #tpu.memory_space<vmem>>, %arg7: memref<128x128xf32, #tpu.memory_space<vmem>>, %arg8: memref<1x128xf32, #tpu.memory_space<vmem>>, %arg9: memref<6x128xf32, #tpu.memory_space<vmem>>, %arg10: memref<1000x128xf32, #tpu.memory_space<vmem>>, %arg11: memref<1000x128xf32, #tpu.memory_space<vmem>>, %arg12: memref<1000x128xf32, #tpu.memory_space<vmem>>) attributes {dimension_semantics = [#tpu.dimension_semantics<arbitrary>], iteration_bounds = array<i64: 160>, scalar_prefetch = 0 : i64, scratch_operands = 0 : i64, tpu.core_type = #tpu.core_type<tc>, window_params = [{transform_indices = @transform_0, window_bounds = array<i64: 1000, 128>}, {transform_indices = @transform_1, window_bounds = array<i64: 1000, 6>}, {transform_indices = @transform_2, window_bounds = array<i64: 1000, 3>}, {transform_indices = @transform_3, window_bounds = array<i64: 1000, 42>}, {pipeline_mode = #tpu.pipeline_mode<synchronous>, transform_indices = @transform_4, window_bounds = array<i64: 128, 128>}, {pipeline_mode = #tpu.pipeline_mode<synchronous>, transform_indices = @transform_5, window_bounds = array<i64: 1, 128>}, {pipeline_mode = #tpu.pipeline_mode<synchronous>, transform_indices = @transform_6, window_bounds = array<i64: 128, 128>}, {pipeline_mode = #tpu.pipeline_mode<synchronous>, transform_indices = @transform_7, window_bounds = array<i64: 1, 128>}, {pipeline_mode = #tpu.pipeline_mode<synchronous>, transform_indices = @transform_8, window_bounds = array<i64: 6, 128>}, {transform_indices = @transform_9, window_bounds = array<i64: 1000, 128>}, {transform_indices = @transform_10, window_bounds = array<i64: 1000, 128>}, {transform_indices = @transform_11, window_bounds = array<i64: 1000, 128>}]} {
    %get3A = arith.constant 0 : index
    %get3A_0 = arith.constant 0 : index
    %get3A_1 = vector.load %arg1[%get3A, %get3A_0] : memref<1000x128xf32, #tpu.memory_space<vmem>>, vector<1000x128xf32>
    %get3A_2 = arith.constant 0 : index
    %get3A_3 = arith.constant 0 : index
    %get3A_4 = vector.load %arg5[%get3A_2, %get3A_3] : memref<128x128xf32, #tpu.memory_space<vmem>>, vector<128x128xf32>
    %dot_general3A = arith.constant dense<0.000000e+00> : vector<1000x128xf32>
    %dot_general3A_5 = tpu.matmul %get3A_1, %get3A_4, %dot_general3A {dimension_numbers = #tpu.dot_dimension_numbers<[1], [0], [0], [1], [0, 0, 1, 1], [], []>, transpose_lhs_hint = false} : vector<1000x128xf32>, vector<128x128xf32>, vector<1000x128xf32> -> vector<1000x128xf32>
    %get3A_6 = arith.constant 0 : index
    %get3A_7 = arith.constant 0 : index
    %get3A_8 = vector.load %arg6[%get3A_6, %get3A_7] : memref<1x128xf32, #tpu.memory_space<vmem>>, vector<1x128xf32>
    %add3A = vector.broadcast %get3A_8 : vector<1x128xf32> to vector<1000x128xf32>
    %add3A_9 = arith.addf %dot_general3A_5, %add3A : vector<1000x128xf32>
    %logistic3A = arith.negf %add3A_9 : vector<1000x128xf32>
    %logistic3A_10 = math.exp %logistic3A : vector<1000x128xf32>
    %logistic3A_11 = arith.constant 1.000000e+00 : f32
    %logistic3A_12 = vector.broadcast %logistic3A_11 : f32 to vector<1000x128xf32>
    %logistic3A_13 = arith.addf %logistic3A_12, %logistic3A_10 : vector<1000x128xf32>
    %logistic3A_14 = arith.divf %logistic3A_12, %logistic3A_13 : vector<1000x128xf32>
    %mul3A = arith.mulf %add3A_9, %logistic3A_14 : vector<1000x128xf32>
    %swap3A = arith.constant 0 : index
    %swap3A_15 = arith.constant 0 : index
    %swap3A_16 = vector.load %arg10[%swap3A, %swap3A_15] : memref<1000x128xf32, #tpu.memory_space<vmem>>, vector<1000x128xf32>
    tpu.vector_store %arg10[%swap3A, %swap3A_15], %mul3A {strides = array<i32>} : memref<1000x128xf32, #tpu.memory_space<vmem>>, vector<1000x128xf32>,
    %get3A_17 = arith.constant 0 : index
    %get3A_18 = arith.constant 0 : index
    %get3A_19 = vector.load %arg2[%get3A_17, %get3A_18] : memref<1000x6xf32, #tpu.memory_space<vmem>>, vector<1000x6xf32>
    %get3A_20 = arith.constant 0 : index
    %get3A_21 = arith.constant 0 : index
    %get3A_22 = vector.load %arg9[%get3A_20, %get3A_21] : memref<6x128xf32, #tpu.memory_space<vmem>>, vector<6x128xf32>
    %dot_general3A_23 = arith.constant dense<0.000000e+00> : vector<1000x128xf32>
    %dot_general3A_24 = tpu.matmul %get3A_19, %get3A_22, %dot_general3A_23 {dimension_numbers = #tpu.dot_dimension_numbers<[1], [0], [0], [1], [0, 0, 1, 1], [], []>, transpose_lhs_hint = false} : vector<1000x6xf32>, vector<6x128xf32>, vector<1000x128xf32> -> vector<1000x128xf32>
    %get3A_25 = arith.constant 0 : index
    %get3A_26 = arith.constant 0 : index
    %get3A_27 = vector.load %arg7[%get3A_25, %get3A_26] : memref<128x128xf32, #tpu.memory_space<vmem>>, vector<128x128xf32>
    %dot_general3A_28 = arith.constant dense<0.000000e+00> : vector<1000x128xf32>
    %dot_general3A_29 = tpu.matmul %get3A_1, %get3A_27, %dot_general3A_28 {dimension_numbers = #tpu.dot_dimension_numbers<[1], [0], [0], [1], [0, 0, 1, 1], [], []>, transpose_lhs_hint = false} : vector<1000x128xf32>, vector<128x128xf32>, vector<1000x128xf32> -> vector<1000x128xf32>
    %get3A_30 = arith.constant 0 : index
    %get3A_31 = arith.constant 0 : index
    %get3A_32 = vector.load %arg8[%get3A_30, %get3A_31] : memref<1x128xf32, #tpu.memory_space<vmem>>, vector<1x128xf32>
    %add3A_33 = vector.broadcast %get3A_32 : vector<1x128xf32> to vector<1000x128xf32>
    %add3A_34 = arith.addf %dot_general3A_29, %add3A_33 : vector<1000x128xf32>
    %logistic3A_35 = arith.negf %add3A_34 : vector<1000x128xf32>
    %logistic3A_36 = math.exp %logistic3A_35 : vector<1000x128xf32>
    %logistic3A_37 = arith.constant 1.000000e+00 : f32
    %logistic3A_38 = vector.broadcast %logistic3A_37 : f32 to vector<1000x128xf32>
    %logistic3A_39 = arith.addf %logistic3A_38, %logistic3A_36 : vector<1000x128xf32>
    %logistic3A_40 = arith.divf %logistic3A_38, %logistic3A_39 : vector<1000x128xf32>
    %mul3A_41 = arith.mulf %add3A_34, %logistic3A_40 : vector<1000x128xf32>
    %mul3A_42 = arith.mulf %mul3A_41, %dot_general3A_24 : vector<1000x128xf32>
    %swap3A_43 = arith.constant 0 : index
    %swap3A_44 = arith.constant 0 : index
    %swap3A_45 = vector.load %arg11[%swap3A_43, %swap3A_44] : memref<1000x128xf32, #tpu.memory_space<vmem>>, vector<1000x128xf32>
    tpu.vector_store %arg11[%swap3A_43, %swap3A_44], %mul3A_42 {strides = array<i32>} : memref<1000x128xf32, #tpu.memory_space<vmem>>, vector<1000x128xf32>,
    %get3A_46 = arith.constant 0 : index
    %get3A_47 = arith.constant 0 : index
    %get3A_48 = vector.load %arg3[%get3A_46, %get3A_47] : memref<1000x3xf32, #tpu.memory_space<vmem>>, vector<1000x3xf32>
    %mul3A_49 = arith.mulf %get3A_48, %get3A_48 : vector<1000x3xf32>
    %reduce_sum3A = arith.constant dense<0.000000e+00> : vector<1000xf32>
    %reduce_sum3A_50 = vector.multi_reduction <add>, %mul3A_49, %reduce_sum3A [1] : vector<1000x3xf32> to vector<1000xf32>
    %broadcast_in_dim3A = vector.shape_cast %reduce_sum3A_50 : vector<1000xf32> to vector<1000x1xf32>
    %max3A = arith.constant 1.000000e-30 : f32
    %max3A_51 = vector.broadcast %max3A : f32 to vector<1000x1xf32>
    %max3A_52 = arith.maximumf %broadcast_in_dim3A, %max3A_51 : vector<1000x1xf32>
    %rsqrt3A = math.rsqrt %max3A_52 : vector<1000x1xf32>
    %mul3A_53 = vector.broadcast %rsqrt3A : vector<1000x1xf32> to vector<1000x3xf32>
    %mul3A_54 = arith.mulf %get3A_48, %mul3A_53 : vector<1000x3xf32>
    %broadcast_in_dim3A_55 = arith.constant 0.000000e+00 : f32
    %broadcast_in_dim3A_56 = vector.broadcast %broadcast_in_dim3A_55 : f32 to vector<1000x83xf32>
    %get3A_57 = arith.constant 0 : index
    %get3A_58 = arith.constant 0 : index
    %get3A_59 = vector.load %arg4[%get3A_57, %get3A_58] : memref<1000x42xf32, #tpu.memory_space<vmem>>, vector<1000x42xf32>
    %concatenate3A = tpu.concatenate %get3A_59, %mul3A_54, %broadcast_in_dim3A_56 in 1 : vector<1000x42xf32>, vector<1000x3xf32>, vector<1000x83xf32> -> vector<1000x128xf32>
    %swap3A_60 = arith.constant 0 : index
    %swap3A_61 = arith.constant 0 : index
    %swap3A_62 = vector.load %arg12[%swap3A_60, %swap3A_61] : memref<1000x128xf32, #tpu.memory_space<vmem>>, vector<1000x128xf32>
    tpu.vector_store %arg12[%swap3A_60, %swap3A_61], %concatenate3A {strides = array<i32>} : memref<1000x128xf32, #tpu.memory_space<vmem>>, vector<1000x128xf32>,
    return
  }
  func.func @transform_0(%arg0: i32) -> (i32, i32) {
    %c0_i32 = arith.constant 0 : i32
    %c0_i32_0 = arith.constant 0 : i32
    return %arg0, %c0_i32 : i32, i32
  }
  func.func @transform_1(%arg0: i32) -> (i32, i32) {
    %c0_i32 = arith.constant 0 : i32
    %c0_i32_0 = arith.constant 0 : i32
    return %arg0, %c0_i32 : i32, i32
  }
  func.func @transform_2(%arg0: i32) -> (i32, i32) {
    %c0_i32 = arith.constant 0 : i32
    %c0_i32_0 = arith.constant 0 : i32
    return %arg0, %c0_i32 : i32, i32
  }
  func.func @transform_3(%arg0: i32) -> (i32, i32) {
    %c0_i32 = arith.constant 0 : i32
    %c0_i32_0 = arith.constant 0 : i32
    return %arg0, %c0_i32 : i32, i32
  }
  func.func @transform_4(%arg0: i32) -> (i32, i32) {
    %c0_i32 = arith.constant 0 : i32
    %c0_i32_0 = arith.constant 0 : i32
    %c0_i32_1 = arith.constant 0 : i32
    return %c0_i32, %c0_i32_0 : i32, i32
  }
  func.func @transform_5(%arg0: i32) -> (i32, i32) {
    %c0_i32 = arith.constant 0 : i32
    %c0_i32_0 = arith.constant 0 : i32
    %c0_i32_1 = arith.constant 0 : i32
    return %c0_i32, %c0_i32_0 : i32, i32
  }
  func.func @transform_6(%arg0: i32) -> (i32, i32) {
    %c0_i32 = arith.constant 0 : i32
    %c0_i32_0 = arith.constant 0 : i32
    %c0_i32_1 = arith.constant 0 : i32
    return %c0_i32, %c0_i32_0 : i32, i32
  }
  func.func @transform_7(%arg0: i32) -> (i32, i32) {
    %c0_i32 = arith.constant 0 : i32
    %c0_i32_0 = arith.constant 0 : i32
    %c0_i32_1 = arith.constant 0 : i32
    return %c0_i32, %c0_i32_0 : i32, i32
  }
  func.func @transform_8(%arg0: i32) -> (i32, i32) {
    %c0_i32 = arith.constant 0 : i32
    %c0_i32_0 = arith.constant 0 : i32
    %c0_i32_1 = arith.constant 0 : i32
    return %c0_i32, %c0_i32_0 : i32, i32
  }
  func.func @transform_9(%arg0: i32) -> (i32, i32) {
    %c0_i32 = arith.constant 0 : i32
    %c0_i32_0 = arith.constant 0 : i32
    return %arg0, %c0_i32 : i32, i32
  }
  func.func @transform_10(%arg0: i32) -> (i32, i32) {
    %c0_i32 = arith.constant 0 : i32
    %c0_i32_0 = arith.constant 0 : i32
    return %arg0, %c0_i32 : i32, i32
  }
  func.func @transform_11(%arg0: i32) -> (i32, i32) {
    %c0_i32 = arith.constant 0 : i32
    %c0_i32_0 = arith.constant 0 : i32
    return %arg0, %c0_i32 : i32, i32
  }
}

module attributes {stable_mosaic.version = 14 : i64} {
  func.func @_phase_c_body(%arg0: i32, %arg1: memref<1000x128xf32, #tpu.memory_space<vmem>>, %arg2: memref<1000x128xf32, #tpu.memory_space<vmem>>, %arg3: memref<1000x128xf32, #tpu.memory_space<vmem>>, %arg4: memref<48x56xf32, #tpu.memory_space<vmem>>, %arg5: memref<128x1024xf32, #tpu.memory_space<vmem>>, %arg6: memref<1000x128xf32, #tpu.memory_space<vmem>>) attributes {dimension_semantics = [#tpu.dimension_semantics<arbitrary>], iteration_bounds = array<i64: 640>, scalar_prefetch = 0 : i64, scratch_operands = 0 : i64, tpu.core_type = #tpu.core_type<tc>, window_params = [{transform_indices = @transform_0, window_bounds = array<i64: 1000, 128>}, {transform_indices = @transform_1, window_bounds = array<i64: 1000, 128>}, {transform_indices = @transform_2, window_bounds = array<i64: 1000, 128>}, {pipeline_mode = #tpu.pipeline_mode<synchronous>, transform_indices = @transform_3, window_bounds = array<i64: 48, 56>}, {pipeline_mode = #tpu.pipeline_mode<synchronous>, transform_indices = @transform_4, window_bounds = array<i64: 128, 1024>}, {transform_indices = @transform_5, window_bounds = array<i64: 1000, 128>}]} {
    %get3A = arith.constant 0 : index
    %get3A_0 = arith.constant 0 : index
    %get3A_1 = vector.load %arg2[%get3A, %get3A_0] : memref<1000x128xf32, #tpu.memory_space<vmem>>, vector<1000x48xf32>
    %get3A_2 = arith.constant 0 : index
    %get3A_3 = arith.constant 42 : index
    %get3A_4 = vector.load %arg2[%get3A_2, %get3A_3] : memref<1000x128xf32, #tpu.memory_space<vmem>>, vector<1000x3xf32>
    %get3A_5 = arith.constant 0 : index
    %get3A_6 = arith.constant 42 : index
    %get3A_7 = vector.load %arg3[%get3A_5, %get3A_6] : memref<1000x128xf32, #tpu.memory_space<vmem>>, vector<1000x3xf32>
    %mul3A = arith.mulf %get3A_4, %get3A_7 : vector<1000x3xf32>
    %reduce_sum3A = arith.constant dense<0.000000e+00> : vector<1000xf32>
    %reduce_sum3A_8 = vector.multi_reduction <add>, %mul3A, %reduce_sum3A [1] : vector<1000x3xf32> to vector<1000xf32>
    %broadcast_in_dim3A = vector.shape_cast %reduce_sum3A_8 : vector<1000xf32> to vector<1000x1xf32>
    %get3A_9 = arith.constant 0 : index
    %get3A_10 = arith.constant 0 : index
    %get3A_11 = vector.load %arg4[%get3A_9, %get3A_10] : memref<48x56xf32, #tpu.memory_space<vmem>>, vector<48x56xf32>
    %dot_general3A = arith.constant dense<0.000000e+00> : vector<1000x56xf32>
    %dot_general3A_12 = tpu.matmul %get3A_1, %get3A_11, %dot_general3A {dimension_numbers = #tpu.dot_dimension_numbers<[1], [0], [0], [1], [0, 0, 1, 1], [], []>, transpose_lhs_hint = false} : vector<1000x48xf32>, vector<48x56xf32>, vector<1000x56xf32> -> vector<1000x56xf32>
    %broadcast_in_dim3A_13 = arith.constant 1.000000e+00 : f32
    %broadcast_in_dim3A_14 = vector.broadcast %broadcast_in_dim3A_13 : f32 to vector<1000x1xf32>
    %slice3A = vector.extract_strided_slice %dot_general3A_12 {offsets = [0, 0], sizes = [1000, 8], strides = [1, 1]} : vector<1000x56xf32> to vector<1000x8xf32>
    %slice3A_15 = vector.extract_strided_slice %dot_general3A_12 {offsets = [0, 8], sizes = [1000, 8], strides = [1, 1]} : vector<1000x56xf32> to vector<1000x8xf32>
    %mul3A_16 = vector.broadcast %broadcast_in_dim3A : vector<1000x1xf32> to vector<1000x8xf32>
    %mul3A_17 = arith.mulf %mul3A_16, %slice3A_15 : vector<1000x8xf32>
    %add3A = arith.addf %slice3A, %mul3A_17 : vector<1000x8xf32>
    %mul3A_18 = arith.constant 2.000000e+00 : f32
    %mul3A_19 = vector.broadcast %mul3A_18 : f32 to vector<1000x1xf32>
    %mul3A_20 = arith.mulf %mul3A_19, %broadcast_in_dim3A : vector<1000x1xf32>
    %mul3A_21 = arith.mulf %mul3A_20, %broadcast_in_dim3A : vector<1000x1xf32>
    %sub3A = arith.subf %mul3A_21, %broadcast_in_dim3A_14 : vector<1000x1xf32>
    %slice3A_22 = vector.extract_strided_slice %dot_general3A_12 {offsets = [0, 16], sizes = [1000, 8], strides = [1, 1]} : vector<1000x56xf32> to vector<1000x8xf32>
    %mul3A_23 = vector.broadcast %sub3A : vector<1000x1xf32> to vector<1000x8xf32>
    %mul3A_24 = arith.mulf %mul3A_23, %slice3A_22 : vector<1000x8xf32>
    %add3A_25 = arith.addf %add3A, %mul3A_24 : vector<1000x8xf32>
    %mul3A_26 = arith.constant 2.000000e+00 : f32
    %mul3A_27 = vector.broadcast %mul3A_26 : f32 to vector<1000x1xf32>
    %mul3A_28 = arith.mulf %mul3A_27, %broadcast_in_dim3A : vector<1000x1xf32>
    %mul3A_29 = arith.mulf %mul3A_28, %sub3A : vector<1000x1xf32>
    %sub3A_30 = arith.subf %mul3A_29, %broadcast_in_dim3A : vector<1000x1xf32>
    %slice3A_31 = vector.extract_strided_slice %dot_general3A_12 {offsets = [0, 24], sizes = [1000, 8], strides = [1, 1]} : vector<1000x56xf32> to vector<1000x8xf32>
    %mul3A_32 = vector.broadcast %sub3A_30 : vector<1000x1xf32> to vector<1000x8xf32>
    %mul3A_33 = arith.mulf %mul3A_32, %slice3A_31 : vector<1000x8xf32>
    %add3A_34 = arith.addf %add3A_25, %mul3A_33 : vector<1000x8xf32>
    %mul3A_35 = arith.constant 2.000000e+00 : f32
    %mul3A_36 = vector.broadcast %mul3A_35 : f32 to vector<1000x1xf32>
    %mul3A_37 = arith.mulf %mul3A_36, %broadcast_in_dim3A : vector<1000x1xf32>
    %mul3A_38 = arith.mulf %mul3A_37, %sub3A_30 : vector<1000x1xf32>
    %sub3A_39 = arith.subf %mul3A_38, %sub3A : vector<1000x1xf32>
    %slice3A_40 = vector.extract_strided_slice %dot_general3A_12 {offsets = [0, 32], sizes = [1000, 8], strides = [1, 1]} : vector<1000x56xf32> to vector<1000x8xf32>
    %mul3A_41 = vector.broadcast %sub3A_39 : vector<1000x1xf32> to vector<1000x8xf32>
    %mul3A_42 = arith.mulf %mul3A_41, %slice3A_40 : vector<1000x8xf32>
    %add3A_43 = arith.addf %add3A_34, %mul3A_42 : vector<1000x8xf32>
    %mul3A_44 = arith.constant 2.000000e+00 : f32
    %mul3A_45 = vector.broadcast %mul3A_44 : f32 to vector<1000x1xf32>
    %mul3A_46 = arith.mulf %mul3A_45, %broadcast_in_dim3A : vector<1000x1xf32>
    %mul3A_47 = arith.mulf %mul3A_46, %sub3A_39 : vector<1000x1xf32>
    %sub3A_48 = arith.subf %mul3A_47, %sub3A_30 : vector<1000x1xf32>
    %slice3A_49 = vector.extract_strided_slice %dot_general3A_12 {offsets = [0, 40], sizes = [1000, 8], strides = [1, 1]} : vector<1000x56xf32> to vector<1000x8xf32>
    %mul3A_50 = vector.broadcast %sub3A_48 : vector<1000x1xf32> to vector<1000x8xf32>
    %mul3A_51 = arith.mulf %mul3A_50, %slice3A_49 : vector<1000x8xf32>
    %add3A_52 = arith.addf %add3A_43, %mul3A_51 : vector<1000x8xf32>
    %mul3A_53 = arith.constant 2.000000e+00 : f32
    %mul3A_54 = vector.broadcast %mul3A_53 : f32 to vector<1000x1xf32>
    %mul3A_55 = arith.mulf %mul3A_54, %broadcast_in_dim3A : vector<1000x1xf32>
    %mul3A_56 = arith.mulf %mul3A_55, %sub3A_48 : vector<1000x1xf32>
    %sub3A_57 = arith.subf %mul3A_56, %sub3A_39 : vector<1000x1xf32>
    %slice3A_58 = vector.extract_strided_slice %dot_general3A_12 {offsets = [0, 48], sizes = [1000, 8], strides = [1, 1]} : vector<1000x56xf32> to vector<1000x8xf32>
    %mul3A_59 = vector.broadcast %sub3A_57 : vector<1000x1xf32> to vector<1000x8xf32>
    %mul3A_60 = arith.mulf %mul3A_59, %slice3A_58 : vector<1000x8xf32>
    %add3A_61 = arith.addf %add3A_52, %mul3A_60 : vector<1000x8xf32>
    %get3A_62 = arith.constant 0 : index
    %get3A_63 = arith.constant 0 : index
    %get3A_64 = vector.load %arg1[%get3A_62, %get3A_63] : memref<1000x128xf32, #tpu.memory_space<vmem>>, vector<1000x128xf32>
    %get3A_65 = arith.constant 0 : index
    %get3A_66 = arith.constant 0 : index
    %get3A_67 = vector.load %arg5[%get3A_65, %get3A_66] : memref<128x1024xf32, #tpu.memory_space<vmem>>, vector<128x1024xf32>
    %dot_general3A_68 = arith.constant dense<0.000000e+00> : vector<1000x1024xf32>
    %dot_general3A_69 = tpu.matmul %get3A_64, %get3A_67, %dot_general3A_68 {dimension_numbers = #tpu.dot_dimension_numbers<[1], [0], [0], [1], [0, 0, 1, 1], [], []>, transpose_lhs_hint = false} : vector<1000x128xf32>, vector<128x1024xf32>, vector<1000x1024xf32> -> vector<1000x1024xf32>
    %slice3A_70 = vector.extract_strided_slice %add3A_61 {offsets = [0, 0], sizes = [1000, 1], strides = [1, 1]} : vector<1000x8xf32> to vector<1000x1xf32>
    %slice3A_71 = vector.extract_strided_slice %dot_general3A_69 {offsets = [0, 0], sizes = [1000, 128], strides = [1, 1]} : vector<1000x1024xf32> to vector<1000x128xf32>
    %mul3A_72 = vector.broadcast %slice3A_70 : vector<1000x1xf32> to vector<1000x128xf32>
    %mul3A_73 = arith.mulf %mul3A_72, %slice3A_71 : vector<1000x128xf32>
    %slice3A_74 = vector.extract_strided_slice %add3A_61 {offsets = [0, 1], sizes = [1000, 1], strides = [1, 1]} : vector<1000x8xf32> to vector<1000x1xf32>
    %slice3A_75 = vector.extract_strided_slice %dot_general3A_69 {offsets = [0, 128], sizes = [1000, 128], strides = [1, 1]} : vector<1000x1024xf32> to vector<1000x128xf32>
    %mul3A_76 = vector.broadcast %slice3A_74 : vector<1000x1xf32> to vector<1000x128xf32>
    %mul3A_77 = arith.mulf %mul3A_76, %slice3A_75 : vector<1000x128xf32>
    %add3A_78 = arith.addf %mul3A_73, %mul3A_77 : vector<1000x128xf32>
    %slice3A_79 = vector.extract_strided_slice %add3A_61 {offsets = [0, 2], sizes = [1000, 1], strides = [1, 1]} : vector<1000x8xf32> to vector<1000x1xf32>
    %slice3A_80 = vector.extract_strided_slice %dot_general3A_69 {offsets = [0, 256], sizes = [1000, 128], strides = [1, 1]} : vector<1000x1024xf32> to vector<1000x128xf32>
    %mul3A_81 = vector.broadcast %slice3A_79 : vector<1000x1xf32> to vector<1000x128xf32>
    %mul3A_82 = arith.mulf %mul3A_81, %slice3A_80 : vector<1000x128xf32>
    %add3A_83 = arith.addf %add3A_78, %mul3A_82 : vector<1000x128xf32>
    %slice3A_84 = vector.extract_strided_slice %add3A_61 {offsets = [0, 3], sizes = [1000, 1], strides = [1, 1]} : vector<1000x8xf32> to vector<1000x1xf32>
    %slice3A_85 = vector.extract_strided_slice %dot_general3A_69 {offsets = [0, 384], sizes = [1000, 128], strides = [1, 1]} : vector<1000x1024xf32> to vector<1000x128xf32>
    %mul3A_86 = vector.broadcast %slice3A_84 : vector<1000x1xf32> to vector<1000x128xf32>
    %mul3A_87 = arith.mulf %mul3A_86, %slice3A_85 : vector<1000x128xf32>
    %add3A_88 = arith.addf %add3A_83, %mul3A_87 : vector<1000x128xf32>
    %slice3A_89 = vector.extract_strided_slice %add3A_61 {offsets = [0, 4], sizes = [1000, 1], strides = [1, 1]} : vector<1000x8xf32> to vector<1000x1xf32>
    %slice3A_90 = vector.extract_strided_slice %dot_general3A_69 {offsets = [0, 512], sizes = [1000, 128], strides = [1, 1]} : vector<1000x1024xf32> to vector<1000x128xf32>
    %mul3A_91 = vector.broadcast %slice3A_89 : vector<1000x1xf32> to vector<1000x128xf32>
    %mul3A_92 = arith.mulf %mul3A_91, %slice3A_90 : vector<1000x128xf32>
    %add3A_93 = arith.addf %add3A_88, %mul3A_92 : vector<1000x128xf32>
    %slice3A_94 = vector.extract_strided_slice %add3A_61 {offsets = [0, 5], sizes = [1000, 1], strides = [1, 1]} : vector<1000x8xf32> to vector<1000x1xf32>
    %slice3A_95 = vector.extract_strided_slice %dot_general3A_69 {offsets = [0, 640], sizes = [1000, 128], strides = [1, 1]} : vector<1000x1024xf32> to vector<1000x128xf32>
    %mul3A_96 = vector.broadcast %slice3A_94 : vector<1000x1xf32> to vector<1000x128xf32>
    %mul3A_97 = arith.mulf %mul3A_96, %slice3A_95 : vector<1000x128xf32>
    %add3A_98 = arith.addf %add3A_93, %mul3A_97 : vector<1000x128xf32>
    %slice3A_99 = vector.extract_strided_slice %add3A_61 {offsets = [0, 6], sizes = [1000, 1], strides = [1, 1]} : vector<1000x8xf32> to vector<1000x1xf32>
    %slice3A_100 = vector.extract_strided_slice %dot_general3A_69 {offsets = [0, 768], sizes = [1000, 128], strides = [1, 1]} : vector<1000x1024xf32> to vector<1000x128xf32>
    %mul3A_101 = vector.broadcast %slice3A_99 : vector<1000x1xf32> to vector<1000x128xf32>
    %mul3A_102 = arith.mulf %mul3A_101, %slice3A_100 : vector<1000x128xf32>
    %add3A_103 = arith.addf %add3A_98, %mul3A_102 : vector<1000x128xf32>
    %slice3A_104 = vector.extract_strided_slice %add3A_61 {offsets = [0, 7], sizes = [1000, 1], strides = [1, 1]} : vector<1000x8xf32> to vector<1000x1xf32>
    %slice3A_105 = vector.extract_strided_slice %dot_general3A_69 {offsets = [0, 896], sizes = [1000, 128], strides = [1, 1]} : vector<1000x1024xf32> to vector<1000x128xf32>
    %mul3A_106 = vector.broadcast %slice3A_104 : vector<1000x1xf32> to vector<1000x128xf32>
    %mul3A_107 = arith.mulf %mul3A_106, %slice3A_105 : vector<1000x128xf32>
    %add3A_108 = arith.addf %add3A_103, %mul3A_107 : vector<1000x128xf32>
    %swap3A = arith.constant 0 : index
    %swap3A_109 = arith.constant 0 : index
    %swap3A_110 = vector.load %arg6[%swap3A, %swap3A_109] : memref<1000x128xf32, #tpu.memory_space<vmem>>, vector<1000x128xf32>
    tpu.vector_store %arg6[%swap3A, %swap3A_109], %add3A_108 {strides = array<i32>} : memref<1000x128xf32, #tpu.memory_space<vmem>>, vector<1000x128xf32>,
    return
  }
  func.func @transform_0(%arg0: i32) -> (i32, i32) {
    %c0_i32 = arith.constant 0 : i32
    %c0_i32_0 = arith.constant 0 : i32
    return %arg0, %c0_i32 : i32, i32
  }
  func.func @transform_1(%arg0: i32) -> (i32, i32) {
    %c0_i32 = arith.constant 0 : i32
    %c0_i32_0 = arith.constant 0 : i32
    return %arg0, %c0_i32 : i32, i32
  }
  func.func @transform_2(%arg0: i32) -> (i32, i32) {
    %c0_i32 = arith.constant 0 : i32
    %c0_i32_0 = arith.constant 0 : i32
    return %arg0, %c0_i32 : i32, i32
  }
  func.func @transform_3(%arg0: i32) -> (i32, i32) {
    %c0_i32 = arith.constant 0 : i32
    %c0_i32_0 = arith.constant 0 : i32
    %c0_i32_1 = arith.constant 0 : i32
    return %c0_i32, %c0_i32_0 : i32, i32
  }
  func.func @transform_4(%arg0: i32) -> (i32, i32) {
    %c0_i32 = arith.constant 0 : i32
    %c0_i32_0 = arith.constant 0 : i32
    %c0_i32_1 = arith.constant 0 : i32
    return %c0_i32, %c0_i32_0 : i32, i32
  }
  func.func @transform_5(%arg0: i32) -> (i32, i32) {
    %c0_i32 = arith.constant 0 : i32
    %c0_i32_0 = arith.constant 0 : i32
    return %arg0, %c0_i32 : i32, i32
  }
}

module attributes {stable_mosaic.version = 14 : i64} {
  func.func @_phase_e_body(%arg0: i32, %arg1: memref<1000x128xf32, #tpu.memory_space<vmem>>, %arg2: memref<1000x128xf32, #tpu.memory_space<vmem>>, %arg3: memref<1000x128xf32, #tpu.memory_space<vmem>>, %arg4: memref<128x128xf32, #tpu.memory_space<vmem>>, %arg5: memref<1x128xf32, #tpu.memory_space<vmem>>, %arg6: memref<128x128xf32, #tpu.memory_space<vmem>>, %arg7: memref<1x128xf32, #tpu.memory_space<vmem>>, %arg8: memref<128x128xf32, #tpu.memory_space<vmem>>, %arg9: memref<1x128xf32, #tpu.memory_space<vmem>>, %arg10: memref<128x128xf32, #tpu.memory_space<vmem>>, %arg11: memref<1x128xf32, #tpu.memory_space<vmem>>, %arg12: memref<128x128xf32, #tpu.memory_space<vmem>>, %arg13: memref<1x128xf32, #tpu.memory_space<vmem>>, %arg14: memref<128x128xf32, #tpu.memory_space<vmem>>, %arg15: memref<1x128xf32, #tpu.memory_space<vmem>>, %arg16: memref<128x128xf32, #tpu.memory_space<vmem>>, %arg17: memref<1x128xf32, #tpu.memory_space<vmem>>, %arg18: memref<1000x128xf32, #tpu.memory_space<vmem>>) attributes {dimension_semantics = [#tpu.dimension_semantics<arbitrary>], iteration_bounds = array<i64: 160>, scalar_prefetch = 0 : i64, scratch_operands = 0 : i64, tpu.core_type = #tpu.core_type<tc>, window_params = [{transform_indices = @transform_0, window_bounds = array<i64: 1000, 128>}, {transform_indices = @transform_1, window_bounds = array<i64: 1000, 128>}, {transform_indices = @transform_2, window_bounds = array<i64: 1000, 128>}, {pipeline_mode = #tpu.pipeline_mode<synchronous>, transform_indices = @transform_3, window_bounds = array<i64: 128, 128>}, {pipeline_mode = #tpu.pipeline_mode<synchronous>, transform_indices = @transform_4, window_bounds = array<i64: 1, 128>}, {pipeline_mode = #tpu.pipeline_mode<synchronous>, transform_indices = @transform_5, window_bounds = array<i64: 128, 128>}, {pipeline_mode = #tpu.pipeline_mode<synchronous>, transform_indices = @transform_6, window_bounds = array<i64: 1, 128>}, {pipeline_mode = #tpu.pipeline_mode<synchronous>, transform_indices = @transform_7, window_bounds = array<i64: 128, 128>}, {pipeline_mode = #tpu.pipeline_mode<synchronous>, transform_indices = @transform_8, window_bounds = array<i64: 1, 128>}, {pipeline_mode = #tpu.pipeline_mode<synchronous>, transform_indices = @transform_9, window_bounds = array<i64: 128, 128>}, {pipeline_mode = #tpu.pipeline_mode<synchronous>, transform_indices = @transform_10, window_bounds = array<i64: 1, 128>}, {pipeline_mode = #tpu.pipeline_mode<synchronous>, transform_indices = @transform_11, window_bounds = array<i64: 128, 128>}, {pipeline_mode = #tpu.pipeline_mode<synchronous>, transform_indices = @transform_12, window_bounds = array<i64: 1, 128>}, {pipeline_mode = #tpu.pipeline_mode<synchronous>, transform_indices = @transform_13, window_bounds = array<i64: 128, 128>}, {pipeline_mode = #tpu.pipeline_mode<synchronous>, transform_indices = @transform_14, window_bounds = array<i64: 1, 128>}, {pipeline_mode = #tpu.pipeline_mode<synchronous>, transform_indices = @transform_15, window_bounds = array<i64: 128, 128>}, {pipeline_mode = #tpu.pipeline_mode<synchronous>, transform_indices = @transform_16, window_bounds = array<i64: 1, 128>}, {transform_indices = @transform_17, window_bounds = array<i64: 1000, 128>}]} {
    %get3A = arith.constant 0 : index
    %get3A_0 = arith.constant 0 : index
    %get3A_1 = vector.load %arg3[%get3A, %get3A_0] : memref<1000x128xf32, #tpu.memory_space<vmem>>, vector<1000x128xf32>
    %get3A_2 = arith.constant 0 : index
    %get3A_3 = arith.constant 0 : index
    %get3A_4 = vector.load %arg2[%get3A_2, %get3A_3] : memref<1000x128xf32, #tpu.memory_space<vmem>>, vector<1000x128xf32>
    %add3A = arith.addf %get3A_1, %get3A_4 : vector<1000x128xf32>
    %get3A_5 = arith.constant 0 : index
    %get3A_6 = arith.constant 0 : index
    %get3A_7 = vector.load %arg4[%get3A_5, %get3A_6] : memref<128x128xf32, #tpu.memory_space<vmem>>, vector<128x128xf32>
    %dot_general3A = arith.constant dense<0.000000e+00> : vector<1000x128xf32>
    %dot_general3A_8 = tpu.matmul %add3A, %get3A_7, %dot_general3A {dimension_numbers = #tpu.dot_dimension_numbers<[1], [0], [0], [1], [0, 0, 1, 1], [], []>, transpose_lhs_hint = false} : vector<1000x128xf32>, vector<128x128xf32>, vector<1000x128xf32> -> vector<1000x128xf32>
    %get3A_9 = arith.constant 0 : index
    %get3A_10 = arith.constant 0 : index
    %get3A_11 = vector.load %arg5[%get3A_9, %get3A_10] : memref<1x128xf32, #tpu.memory_space<vmem>>, vector<1x128xf32>
    %add3A_12 = vector.broadcast %get3A_11 : vector<1x128xf32> to vector<1000x128xf32>
    %add3A_13 = arith.addf %dot_general3A_8, %add3A_12 : vector<1000x128xf32>
    %logistic3A = arith.negf %add3A_13 : vector<1000x128xf32>
    %logistic3A_14 = math.exp %logistic3A : vector<1000x128xf32>
    %logistic3A_15 = arith.constant 1.000000e+00 : f32
    %logistic3A_16 = vector.broadcast %logistic3A_15 : f32 to vector<1000x128xf32>
    %logistic3A_17 = arith.addf %logistic3A_16, %logistic3A_14 : vector<1000x128xf32>
    %logistic3A_18 = arith.divf %logistic3A_16, %logistic3A_17 : vector<1000x128xf32>
    %mul3A = arith.mulf %add3A_13, %logistic3A_18 : vector<1000x128xf32>
    %get3A_19 = arith.constant 0 : index
    %get3A_20 = arith.constant 0 : index
    %get3A_21 = vector.load %arg6[%get3A_19, %get3A_20] : memref<128x128xf32, #tpu.memory_space<vmem>>, vector<128x128xf32>
    %dot_general3A_22 = arith.constant dense<0.000000e+00> : vector<1000x128xf32>
    %dot_general3A_23 = tpu.matmul %mul3A, %get3A_21, %dot_general3A_22 {dimension_numbers = #tpu.dot_dimension_numbers<[1], [0], [0], [1], [0, 0, 1, 1], [], []>, transpose_lhs_hint = false} : vector<1000x128xf32>, vector<128x128xf32>, vector<1000x128xf32> -> vector<1000x128xf32>
    %get3A_24 = arith.constant 0 : index
    %get3A_25 = arith.constant 0 : index
    %get3A_26 = vector.load %arg7[%get3A_24, %get3A_25] : memref<1x128xf32, #tpu.memory_space<vmem>>, vector<1x128xf32>
    %add3A_27 = vector.broadcast %get3A_26 : vector<1x128xf32> to vector<1000x128xf32>
    %add3A_28 = arith.addf %dot_general3A_23, %add3A_27 : vector<1000x128xf32>
    %logistic3A_29 = arith.negf %add3A_28 : vector<1000x128xf32>
    %logistic3A_30 = math.exp %logistic3A_29 : vector<1000x128xf32>
    %logistic3A_31 = arith.constant 1.000000e+00 : f32
    %logistic3A_32 = vector.broadcast %logistic3A_31 : f32 to vector<1000x128xf32>
    %logistic3A_33 = arith.addf %logistic3A_32, %logistic3A_30 : vector<1000x128xf32>
    %logistic3A_34 = arith.divf %logistic3A_32, %logistic3A_33 : vector<1000x128xf32>
    %mul3A_35 = arith.mulf %add3A_28, %logistic3A_34 : vector<1000x128xf32>
    %add3A_36 = arith.addf %add3A, %mul3A_35 : vector<1000x128xf32>
    %get3A_37 = arith.constant 0 : index
    %get3A_38 = arith.constant 0 : index
    %get3A_39 = vector.load %arg8[%get3A_37, %get3A_38] : memref<128x128xf32, #tpu.memory_space<vmem>>, vector<128x128xf32>
    %dot_general3A_40 = arith.constant dense<0.000000e+00> : vector<1000x128xf32>
    %dot_general3A_41 = tpu.matmul %add3A_36, %get3A_39, %dot_general3A_40 {dimension_numbers = #tpu.dot_dimension_numbers<[1], [0], [0], [1], [0, 0, 1, 1], [], []>, transpose_lhs_hint = false} : vector<1000x128xf32>, vector<128x128xf32>, vector<1000x128xf32> -> vector<1000x128xf32>
    %get3A_42 = arith.constant 0 : index
    %get3A_43 = arith.constant 0 : index
    %get3A_44 = vector.load %arg9[%get3A_42, %get3A_43] : memref<1x128xf32, #tpu.memory_space<vmem>>, vector<1x128xf32>
    %add3A_45 = vector.broadcast %get3A_44 : vector<1x128xf32> to vector<1000x128xf32>
    %add3A_46 = arith.addf %dot_general3A_41, %add3A_45 : vector<1000x128xf32>
    %logistic3A_47 = arith.negf %add3A_46 : vector<1000x128xf32>
    %logistic3A_48 = math.exp %logistic3A_47 : vector<1000x128xf32>
    %logistic3A_49 = arith.constant 1.000000e+00 : f32
    %logistic3A_50 = vector.broadcast %logistic3A_49 : f32 to vector<1000x128xf32>
    %logistic3A_51 = arith.addf %logistic3A_50, %logistic3A_48 : vector<1000x128xf32>
    %logistic3A_52 = arith.divf %logistic3A_50, %logistic3A_51 : vector<1000x128xf32>
    %mul3A_53 = arith.mulf %add3A_46, %logistic3A_52 : vector<1000x128xf32>
    %get3A_54 = arith.constant 0 : index
    %get3A_55 = arith.constant 0 : index
    %get3A_56 = vector.load %arg1[%get3A_54, %get3A_55] : memref<1000x128xf32, #tpu.memory_space<vmem>>, vector<1000x128xf32>
    %add3A_57 = arith.addf %get3A_56, %mul3A_53 : vector<1000x128xf32>
    %get3A_58 = arith.constant 0 : index
    %get3A_59 = arith.constant 0 : index
    %get3A_60 = vector.load %arg10[%get3A_58, %get3A_59] : memref<128x128xf32, #tpu.memory_space<vmem>>, vector<128x128xf32>
    %dot_general3A_61 = arith.constant dense<0.000000e+00> : vector<1000x128xf32>
    %dot_general3A_62 = tpu.matmul %add3A_57, %get3A_60, %dot_general3A_61 {dimension_numbers = #tpu.dot_dimension_numbers<[1], [0], [0], [1], [0, 0, 1, 1], [], []>, transpose_lhs_hint = false} : vector<1000x128xf32>, vector<128x128xf32>, vector<1000x128xf32> -> vector<1000x128xf32>
    %get3A_63 = arith.constant 0 : index
    %get3A_64 = arith.constant 0 : index
    %get3A_65 = vector.load %arg11[%get3A_63, %get3A_64] : memref<1x128xf32, #tpu.memory_space<vmem>>, vector<1x128xf32>
    %add3A_66 = vector.broadcast %get3A_65 : vector<1x128xf32> to vector<1000x128xf32>
    %add3A_67 = arith.addf %dot_general3A_62, %add3A_66 : vector<1000x128xf32>
    %logistic3A_68 = arith.negf %add3A_67 : vector<1000x128xf32>
    %logistic3A_69 = math.exp %logistic3A_68 : vector<1000x128xf32>
    %logistic3A_70 = arith.constant 1.000000e+00 : f32
    %logistic3A_71 = vector.broadcast %logistic3A_70 : f32 to vector<1000x128xf32>
    %logistic3A_72 = arith.addf %logistic3A_71, %logistic3A_69 : vector<1000x128xf32>
    %logistic3A_73 = arith.divf %logistic3A_71, %logistic3A_72 : vector<1000x128xf32>
    %mul3A_74 = arith.mulf %add3A_67, %logistic3A_73 : vector<1000x128xf32>
    %get3A_75 = arith.constant 0 : index
    %get3A_76 = arith.constant 0 : index
    %get3A_77 = vector.load %arg12[%get3A_75, %get3A_76] : memref<128x128xf32, #tpu.memory_space<vmem>>, vector<128x128xf32>
    %dot_general3A_78 = arith.constant dense<0.000000e+00> : vector<1000x128xf32>
    %dot_general3A_79 = tpu.matmul %mul3A_74, %get3A_77, %dot_general3A_78 {dimension_numbers = #tpu.dot_dimension_numbers<[1], [0], [0], [1], [0, 0, 1, 1], [], []>, transpose_lhs_hint = false} : vector<1000x128xf32>, vector<128x128xf32>, vector<1000x128xf32> -> vector<1000x128xf32>
    %get3A_80 = arith.constant 0 : index
    %get3A_81 = arith.constant 0 : index
    %get3A_82 = vector.load %arg13[%get3A_80, %get3A_81] : memref<1x128xf32, #tpu.memory_space<vmem>>, vector<1x128xf32>
    %add3A_83 = vector.broadcast %get3A_82 : vector<1x128xf32> to vector<1000x128xf32>
    %add3A_84 = arith.addf %dot_general3A_79, %add3A_83 : vector<1000x128xf32>
    %logistic3A_85 = arith.negf %add3A_84 : vector<1000x128xf32>
    %logistic3A_86 = math.exp %logistic3A_85 : vector<1000x128xf32>
    %logistic3A_87 = arith.constant 1.000000e+00 : f32
    %logistic3A_88 = vector.broadcast %logistic3A_87 : f32 to vector<1000x128xf32>
    %logistic3A_89 = arith.addf %logistic3A_88, %logistic3A_86 : vector<1000x128xf32>
    %logistic3A_90 = arith.divf %logistic3A_88, %logistic3A_89 : vector<1000x128xf32>
    %mul3A_91 = arith.mulf %add3A_84, %logistic3A_90 : vector<1000x128xf32>
    %add3A_92 = arith.addf %add3A_57, %mul3A_91 : vector<1000x128xf32>
    %get3A_93 = arith.constant 0 : index
    %get3A_94 = arith.constant 0 : index
    %get3A_95 = vector.load %arg14[%get3A_93, %get3A_94] : memref<128x128xf32, #tpu.memory_space<vmem>>, vector<128x128xf32>
    %dot_general3A_96 = arith.constant dense<0.000000e+00> : vector<1000x128xf32>
    %dot_general3A_97 = tpu.matmul %add3A_92, %get3A_95, %dot_general3A_96 {dimension_numbers = #tpu.dot_dimension_numbers<[1], [0], [0], [1], [0, 0, 1, 1], [], []>, transpose_lhs_hint = false} : vector<1000x128xf32>, vector<128x128xf32>, vector<1000x128xf32> -> vector<1000x128xf32>
    %get3A_98 = arith.constant 0 : index
    %get3A_99 = arith.constant 0 : index
    %get3A_100 = vector.load %arg15[%get3A_98, %get3A_99] : memref<1x128xf32, #tpu.memory_space<vmem>>, vector<1x128xf32>
    %add3A_101 = vector.broadcast %get3A_100 : vector<1x128xf32> to vector<1000x128xf32>
    %add3A_102 = arith.addf %dot_general3A_97, %add3A_101 : vector<1000x128xf32>
    %logistic3A_103 = arith.negf %add3A_102 : vector<1000x128xf32>
    %logistic3A_104 = math.exp %logistic3A_103 : vector<1000x128xf32>
    %logistic3A_105 = arith.constant 1.000000e+00 : f32
    %logistic3A_106 = vector.broadcast %logistic3A_105 : f32 to vector<1000x128xf32>
    %logistic3A_107 = arith.addf %logistic3A_106, %logistic3A_104 : vector<1000x128xf32>
    %logistic3A_108 = arith.divf %logistic3A_106, %logistic3A_107 : vector<1000x128xf32>
    %mul3A_109 = arith.mulf %add3A_102, %logistic3A_108 : vector<1000x128xf32>
    %get3A_110 = arith.constant 0 : index
    %get3A_111 = arith.constant 0 : index
    %get3A_112 = vector.load %arg16[%get3A_110, %get3A_111] : memref<128x128xf32, #tpu.memory_space<vmem>>, vector<128x128xf32>
    %dot_general3A_113 = arith.constant dense<0.000000e+00> : vector<1000x128xf32>
    %dot_general3A_114 = tpu.matmul %mul3A_109, %get3A_112, %dot_general3A_113 {dimension_numbers = #tpu.dot_dimension_numbers<[1], [0], [0], [1], [0, 0, 1, 1], [], []>, transpose_lhs_hint = false} : vector<1000x128xf32>, vector<128x128xf32>, vector<1000x128xf32> -> vector<1000x128xf32>
    %get3A_115 = arith.constant 0 : index
    %get3A_116 = arith.constant 0 : index
    %get3A_117 = vector.load %arg17[%get3A_115, %get3A_116] : memref<1x128xf32, #tpu.memory_space<vmem>>, vector<1x128xf32>
    %add3A_118 = vector.broadcast %get3A_117 : vector<1x128xf32> to vector<1000x128xf32>
    %add3A_119 = arith.addf %dot_general3A_114, %add3A_118 : vector<1000x128xf32>
    %logistic3A_120 = arith.negf %add3A_119 : vector<1000x128xf32>
    %logistic3A_121 = math.exp %logistic3A_120 : vector<1000x128xf32>
    %logistic3A_122 = arith.constant 1.000000e+00 : f32
    %logistic3A_123 = vector.broadcast %logistic3A_122 : f32 to vector<1000x128xf32>
    %logistic3A_124 = arith.addf %logistic3A_123, %logistic3A_121 : vector<1000x128xf32>
    %logistic3A_125 = arith.divf %logistic3A_123, %logistic3A_124 : vector<1000x128xf32>
    %mul3A_126 = arith.mulf %add3A_119, %logistic3A_125 : vector<1000x128xf32>
    %add3A_127 = arith.addf %add3A_92, %mul3A_126 : vector<1000x128xf32>
    %swap3A = arith.constant 0 : index
    %swap3A_128 = arith.constant 0 : index
    %swap3A_129 = vector.load %arg18[%swap3A, %swap3A_128] : memref<1000x128xf32, #tpu.memory_space<vmem>>, vector<1000x128xf32>
    tpu.vector_store %arg18[%swap3A, %swap3A_128], %add3A_127 {strides = array<i32>} : memref<1000x128xf32, #tpu.memory_space<vmem>>, vector<1000x128xf32>,
    return
  }
  func.func @transform_0(%arg0: i32) -> (i32, i32) {
    %c0_i32 = arith.constant 0 : i32
    %c0_i32_0 = arith.constant 0 : i32
    return %arg0, %c0_i32 : i32, i32
  }
  func.func @transform_1(%arg0: i32) -> (i32, i32) {
    %c0_i32 = arith.constant 0 : i32
    %c0_i32_0 = arith.constant 0 : i32
    return %arg0, %c0_i32 : i32, i32
  }
  func.func @transform_2(%arg0: i32) -> (i32, i32) {
    %c0_i32 = arith.constant 0 : i32
    %c0_i32_0 = arith.constant 0 : i32
    return %arg0, %c0_i32 : i32, i32
  }
  func.func @transform_3(%arg0: i32) -> (i32, i32) {
    %c0_i32 = arith.constant 0 : i32
    %c0_i32_0 = arith.constant 0 : i32
    %c0_i32_1 = arith.constant 0 : i32
    return %c0_i32, %c0_i32_0 : i32, i32
  }
  func.func @transform_4(%arg0: i32) -> (i32, i32) {
    %c0_i32 = arith.constant 0 : i32
    %c0_i32_0 = arith.constant 0 : i32
    %c0_i32_1 = arith.constant 0 : i32
    return %c0_i32, %c0_i32_0 : i32, i32
  }
  func.func @transform_5(%arg0: i32) -> (i32, i32) {
    %c0_i32 = arith.constant 0 : i32
    %c0_i32_0 = arith.constant 0 : i32
    %c0_i32_1 = arith.constant 0 : i32
    return %c0_i32, %c0_i32_0 : i32, i32
  }
  func.func @transform_6(%arg0: i32) -> (i32, i32) {
    %c0_i32 = arith.constant 0 : i32
    %c0_i32_0 = arith.constant 0 : i32
    %c0_i32_1 = arith.constant 0 : i32
    return %c0_i32, %c0_i32_0 : i32, i32
  }
  func.func @transform_7(%arg0: i32) -> (i32, i32) {
    %c0_i32 = arith.constant 0 : i32
    %c0_i32_0 = arith.constant 0 : i32
    %c0_i32_1 = arith.constant 0 : i32
    return %c0_i32, %c0_i32_0 : i32, i32
  }
  func.func @transform_8(%arg0: i32) -> (i32, i32) {
    %c0_i32 = arith.constant 0 : i32
    %c0_i32_0 = arith.constant 0 : i32
    %c0_i32_1 = arith.constant 0 : i32
    return %c0_i32, %c0_i32_0 : i32, i32
  }
  func.func @transform_9(%arg0: i32) -> (i32, i32) {
    %c0_i32 = arith.constant 0 : i32
    %c0_i32_0 = arith.constant 0 : i32
    %c0_i32_1 = arith.constant 0 : i32
    return %c0_i32, %c0_i32_0 : i32, i32
  }
  func.func @transform_10(%arg0: i32) -> (i32, i32) {
    %c0_i32 = arith.constant 0 : i32
    %c0_i32_0 = arith.constant 0 : i32
    %c0_i32_1 = arith.constant 0 : i32
    return %c0_i32, %c0_i32_0 : i32, i32
  }
  func.func @transform_11(%arg0: i32) -> (i32, i32) {
    %c0_i32 = arith.constant 0 : i32
    %c0_i32_0 = arith.constant 0 : i32
    %c0_i32_1 = arith.constant 0 : i32
    return %c0_i32, %c0_i32_0 : i32, i32
  }
  func.func @transform_12(%arg0: i32) -> (i32, i32) {
    %c0_i32 = arith.constant 0 : i32
    %c0_i32_0 = arith.constant 0 : i32
    %c0_i32_1 = arith.constant 0 : i32
    return %c0_i32, %c0_i32_0 : i32, i32
  }
  func.func @transform_13(%arg0: i32) -> (i32, i32) {
    %c0_i32 = arith.constant 0 : i32
    %c0_i32_0 = arith.constant 0 : i32
    %c0_i32_1 = arith.constant 0 : i32
    return %c0_i32, %c0_i32_0 : i32, i32
  }
  func.func @transform_14(%arg0: i32) -> (i32, i32) {
    %c0_i32 = arith.constant 0 : i32
    %c0_i32_0 = arith.constant 0 : i32
    %c0_i32_1 = arith.constant 0 : i32
    return %c0_i32, %c0_i32_0 : i32, i32
  }
  func.func @transform_15(%arg0: i32) -> (i32, i32) {
    %c0_i32 = arith.constant 0 : i32
    %c0_i32_0 = arith.constant 0 : i32
    %c0_i32_1 = arith.constant 0 : i32
    return %c0_i32, %c0_i32_0 : i32, i32
  }
  func.func @transform_16(%arg0: i32) -> (i32, i32) {
    %c0_i32 = arith.constant 0 : i32
    %c0_i32_0 = arith.constant 0 : i32
    %c0_i32_1 = arith.constant 0 : i32
    return %c0_i32, %c0_i32_0 : i32, i32
  }
  func.func @transform_17(%arg0: i32) -> (i32, i32) {
    %c0_i32 = arith.constant 0 : i32
    %c0_i32_0 = arith.constant 0 : i32
    return %arg0, %c0_i32 : i32, i32
  }
}

</mosaic_0001>

<sc_bundles>
// kernel: kernel.10.cloned.1.call-start
scs
__scs_entry_jumppad:
0x0: {  	(pc) =	sbr.rel $0x88, $3  }
0x1: {  	(tag) =	ssettag $0x0;
	lr =	simm.s32 $0x1  }
0x2: {  	[smem:$0x3F87] =	sst lr;
	_ =	strace $0xD0000000  }
0x3: {  	_ = 	snop  }
0x4: {  	_ = 	snop  }
0x5: {  	_ = 	snop  }
0x6: {  	_ = 	snop  }
0x7: {  	_ = 	snop  }
__scs_overlays_trampoline_lowered:
0x8: {  	[smem:$0x3F96] =	sst s0  }
0x9: {  	[smem:$0x3F97] =	sst s1  }
0xa: {  	[smem:$0x3F98] =	sst s2  }
0xb: {  	[smem:$0x3F99] =	sst s3  }
0xc: {  	[smem:$0x3F9A] =	sst s4  }
0xd: {  	[smem:$0x3F9B] =	sst s5  }
0xe: {  	[smem:$0x3F9C] =	sst s6  }
0xf: {  	[smem:$0x3F9D] =	sst s7  }
0x10: {  	[smem:$0x3F9E] =	sst s8  }
0x11: {  	[smem:$0x3F9F] =	sst s9;
	s0 =	simm.s32 @!p0 $0x0  }
0x12: {  	s1 =	sld [smem:$0x3F85];
	s0 =	simm.s32 @p0 $0x1  }
0x13: {  	[smem:$0x3FA0] =	sst s0;
	s0 =	simm.s32 @!p1 $0x0  }
0x14: {  	s2 =	sld [smem:$0x3F84];
	s0 =	simm.s32 @p1 $0x1  }
0x15: {  	[smem:$0x3FA1] =	sst s0;
	s0 =	simm.s32 @!p2 $0x0  }
0x16: {  	s3 =	sld [smem:$0x3FDB];
	s0 =	simm.s32 @p2 $0x1  }
0x17: {  	s4 =	simm.s32 $0x1BF5;
	[smem:$0x3FA3] =	sst s0  }
0x18: {  	s0 =	sld [smem:$0x3F86];
	_ =	swait.ge [sflag:s4], $0x0  }
0x19: {  	s7 =	sld [smem:$0x3F87]  }
0x1a: {  	s8 =	sadd.s32 $0xFFFFE003, lr  }
0x1b: {  	s9 =	sadd.s32 $0xFFFFFEF7, lr;
	s5 =	simm.s32 $0xFFFFFFFF;
	p2 =	slt.u32 s8, $0xFFFFF086  }
0x1c: {  	p1 =	slt.u32 s9, $0xF7A;
	s5 =	simm.s32 @!p2 $0x0  }
0x1d: {  	s5 =	simm.s32 @p1 $0x1;
	p0 =	seq.s32 s7, s2  }
0x1e: {  	s7 =	smul.u32 @!p0 $0xF7A, s2;
	p2 =	seq.s32 @!p0 s5, $0x0  }
0x1f: {  	s9 =	smul.u32 $0xF7A, s1;
	s8 =	simm.s32 @!p0 $0x1BF5;
	p2 =	por !p2, p0  }
0x20: {  	[sflag:s8] =	ssyncset.s32 @!p0 $0xFFFFF086;
	s6 =	sadd.s32 @!p0 s3, s7;
	s7 =	simm.s32 @!p0 $0x108  }
0x21: {  	s3 =	sadd.s32 s3, s9;
	s6 =	sadd.s32 @!p0 $0x88, s6;
	s7 =	simm.s32 @p2 $0x1082  }
0x22: {  	[simem:s7], [sflag:s8] =	dma.local @!p0 [hbm:s6], $0xF7A  }
0x23: {  	s9 =	sor.u32 $0xD0000000, s2;
	s6 =	simm.s32 $0x108;
	_ =	swait.ge @!p0 [sflag:s8], $0x0  }
0x24: {  	s3 =	sadd.s32 $0x88, s3;
	s6 =	simm.s32 @!p1 $0x1082;
	[sflag:s4] =	ssyncset.s32 $0xFFFFF086  }
0x25: {  	[simem:s6], [sflag:s4] =	dma.local [hbm:s3], $0xF7A  }
0x26: {  	[smem:$0x3F87] =	sst s1;
	(tag) =	ssettag s2;
	_ =	strace s9  }
0x27: {  	s1 =	sld [smem:$0x3F97]  }
0x28: {  	s2 =	sld [smem:$0x3F98]  }
0x29: {  	s4 =	sld [smem:$0x3F9A]  }
0x2a: {  	p0 =	seq.s32 s5, $0x0;
	s5 =	sld [smem:$0x3F9B]  }
0x2b: {  	s6 =	sld [smem:$0x3F9C]  }
0x2c: {  	s7 =	sld [smem:$0x3F9D]  }
0x2d: {  	s3 =	simm.s32 $0x108;
	s8 =	sld [smem:$0x3F9E]  }
0x2e: {  	s3 =	simm.s32 @!p0 $0x1082;
	s9 =	sld [smem:$0x3F9F]  }
0x2f: {  	lr =	sadd.s32 s0, s3;
	s0 =	sld [smem:$0x3F96]  }
0x30: {  	s3 =	sld [smem:$0x3F99]  }
0x31: {  	[smem:$0x3FA2] =	sst s10  }
0x32: {  	s10 =	sld [smem:$0x3FA0];
	_ =	sdelay $0x3  }
0x33: {  	p0 =	seq.s32 s10, $0x1;
	s10 =	sld [smem:$0x3FA2];
	_ =	sdelay $0x3  }
0x34: {  	[smem:$0x3FA2] =	sst s10  }
0x35: {  	s10 =	sld [smem:$0x3FA1];
	_ =	sdelay $0x3  }
0x36: {  	p1 =	seq.s32 s10, $0x1;
	s10 =	sld [smem:$0x3FA2];
	_ =	sdelay $0x3  }
0x37: {  	[smem:$0x3FA2] =	sst s10  }
0x38: {  	s10 =	sld [smem:$0x3FA3]  }
0x39: {  	_ = 	snop;
	(pc) =	sbr.ind lr, $3  }
0x3a: {  	_ = 	snop  }
0x3b: {  	_ = 	snop  }
0x3c: {  	p2 =	seq.s32 s10, $0x1;
	s10 =	sld [smem:$0x3FA2]  }
0x3d: {  	_ =	shalt  }
0x3e: {  	_ =	shalt  }
0x3f: {  	_ =	shalt  }
0x40: {  	_ =	shalt  }
0x41: {  	_ =	shalt  }
0x42: {  	_ =	shalt  }
0x43: {  	_ =	shalt  }
0x44: {  	_ =	shalt  }
0x45: {  	_ =	shalt  }
0x46: {  	_ =	shalt  }
0x47: {  	_ =	shalt  }
0x48: {  	_ =	shalt  }
0x49: {  	_ =	shalt  }
0x4a: {  	_ =	shalt  }
0x4b: {  	_ =	shalt  }
0x4c: {  	_ =	shalt  }
0x4d: {  	_ =	shalt  }
0x4e: {  	_ =	shalt  }
0x4f: {  	_ =	shalt  }
0x50: {  	_ =	shalt  }
0x51: {  	_ =	shalt  }
0x52: {  	_ =	shalt  }
0x53: {  	_ =	shalt  }
0x54: {  	_ =	shalt  }
0x55: {  	_ =	shalt  }
0x56: {  	_ =	shalt  }
0x57: {  	_ =	shalt  }
0x58: {  	_ =	shalt  }
0x59: {  	_ =	shalt  }
0x5a: {  	_ =	shalt  }
0x5b: {  	_ =	shalt  }
0x5c: {  	_ =	shalt  }
0x5d: {  	_ =	shalt  }
0x5e: {  	_ =	shalt  }
0x5f: {  	_ =	shalt  }
0x60: {  	_ =	shalt  }
0x61: {  	_ =	shalt  }
0x62: {  	_ =	shalt  }
0x63: {  	_ =	shalt  }
0x64: {  	_ =	shalt  }
0x65: {  	_ =	shalt  }
0x66: {  	_ =	shalt  }
0x67: {  	_ =	shalt  }
0x68: {  	_ =	shalt  }
0x69: {  	_ =	shalt  }
0x6a: {  	_ =	shalt  }
0x6b: {  	_ =	shalt  }
0x6c: {  	_ =	shalt  }
0x6d: {  	_ =	shalt  }
0x6e: {  	_ =	shalt  }
0x6f: {  	_ =	shalt  }
0x70: {  	_ =	shalt  }
0x71: {  	_ =	shalt  }
0x72: {  	_ =	shalt  }
0x73: {  	_ =	shalt  }
0x74: {  	_ =	shalt  }
0x75: {  	_ =	shalt  }
0x76: {  	_ =	shalt  }
0x77: {  	_ =	shalt  }
0x78: {  	_ =	shalt  }
0x79: {  	_ =	shalt  }
0x7a: {  	_ =	shalt  }
0x7b: {  	_ =	shalt  }
0x7c: {  	_ =	shalt  }
0x7d: {  	_ =	shalt  }
0x7e: {  	_ =	shalt  }
0x7f: {  	_ =	shalt  }
0x80: {  	_ =	shalt  }
0x81: {  	_ =	shalt  }
0x82: {  	_ =	shalt  }
0x83: {  	_ =	shalt  }
0x84: {  	_ =	shalt  }
0x85: {  	_ =	shalt  }
0x86: {  	_ =	shalt  }
0x87: {  	_ =	shalt  }
.Lfunc_end0:
.L_simem_size_0:
called_computation.1_lowered:
.L_overlay_start_0:
0x88: {  	s2 =	sld [smem:$0x3FD9]  }
0x89: {  	s3 =	sld [smem:$0x3FFE];
	_ =	sdelay $0x1  }
0x8a: {  	s1 =	srdreg.scid  }
0x8b: {  	s0 =	sand.u32 $0x1, s1  }
0x8c: {  	s17 =	sshll.u32 s0, $0xA;
	s2 =	sadd.s32 s3, s2  }
0x8d: {  	s2 =	sadd.s32 s2, s17  }
0x8e: {  	[smem:$0x3FAE] =	sst s2  }
0x8f: {  	_ = 	snop  }
0x90: {  	s2 =	sld [smem:$0x3FD0];
	(tm) =	ssettm $0x1  }
0x91: {  	s18 =	sld [smem:$0x3FFB];
	_ =	sdelay $0x3  }
0x92: {  	_ =	strace s18  }
0x93: {  	s3 =	sld [smem:$0x3FFC];
	_ =	sdelay $0x3  }
0x94: {  	_ =	strace s3  }
0x95: {  	s3 =	sld [smem:$0x3FFD];
	_ =	sdelay $0x3  }
0x96: {  	_ =	strace s3  }
0x97: {  	_ =	strace $0x8FFFFFFF  }
0x98: {  	s19 =	sld [smem:$0x3FDB];
	_ =	sdelay $0x1  }
0x99: {  	s4 =	simm.s32 $_scs_section_size  }
0x9a: {  	s5 =	simm.s32 $_size__tile_overlayer_lowered;
	s6 =	simm.s32 $_tile_overlayer_lowered  }
0x9b: {  	s22 =	simm.s32 $0x1BFF;
	s21 =	sshll.u32 s6, $0x1;
	s3 =	sadd.s32 s4, s19  }
0x9c: {  	s7 =	simm.s32 $0x0;
	s20 =	sshll.u32 s5, $0x1;
	s5 =	sadd.s32 s21, s3  }
0x9d: {  	[timem:s7], [sflag:s22] =	dma.local [hbm:s5], s20  }
0x9e: {  	_ =	swait.ge [sflag:s22], s20  }
0x9f: {  	s4 =	ssub.s32 $0x0, s20;
	[sflag:s22] =	ssyncset.done $0x0  }
0xa0: {  	[sflag:s22] =	ssyncadd.s32 s4;
	_ =	sdelay $0x1  }
0xa1: {  	s23 =	simm.s32 $0x1B8B  }
0xa2: {  	_ =	swait.ge [sflag:s23], $0x1  }
0xa3: {  	[sflag:s23] =	ssyncset.done $0x0  }
0xa4: {  	s25 =	simm.s32 $0x1B8E;
	s24 =	sld [smem:$0x3FFE];
	[sflag:s23] =	ssyncadd.s32 $0xFFFFFFFF  }
0xa5: {  	s26 =	simm.s32 $execute0_lowered;
	[smem:$0x3FD2] =	sst s25  }
0xa6: {  	s5 =	sshll.u32 s26, $0x1;
	_ =	strace $0x80000049;
	[dreg:$0x1] =	wrdreg $0xFFFFFFFF  }
0xa7: {  	s28 =	simm.s32 $_size_execute0_lowered;
	s3 =	sadd.s32 s3, s5;
	[dreg:$0x0] =	wrdreg $0x0  }
0xa8: {  	s5 =	sshll.u32 s28, $0x1;
	[dreg:$0x2] =	wrdreg s3  }
0xa9: {  	[dreg:$0x3] =	wrdreg s5  }
0xaa: {  	[dreg:$0x4] =	wrdreg $0xC0  }
0xab: {  	_ =	task [dreg:s7], $0x5FFFF  }
0xac: {  	[dreg:$0x1] =	wrdreg $0xFFFFFFFF  }
0xad: {  	[dreg:$0x0] =	wrdreg $0x60  }
0xae: {  	[dreg:$0x2] =	wrdreg s24  }
0xaf: {  	[dreg:$0x3] =	wrdreg s2  }
0xb0: {  	[dreg:$0x4] =	wrdreg $0xE7800  }
0xb1: {  	[dreg:$0x5] =	wrdreg $0x9  }
0xb2: {  	_ =	task.clear_ibuf [dreg:s7], $0x6FFFF;
	_ =	strace $0x90000049  }
0xb3: {  	s29 =	simm.s32 $0x9;
	_ =	strace $0x8000004B  }
0xb4: {  	_ =	swait.ge [sflag:s29], $0x1  }
0xb5: {  	[sflag:s29] =	ssyncadd.s32 $0xFFFFFFFF  }
0xb6: {  	_ =	strace $0x9000004B  }
0xb7: {  	_ =	sfence  }
0xb8: {  	s30 =	sld [smem:$0x0];
	_ =	sdelay $0x2  }
0xb9: {  	s31 =	sshll.u32 s1, $0xD;
	s1 =	sshrl.u32 s1, $0x2  }
0xba: {  	s3 =	sand.u32 $0x4000, s31;
	s1 =	sadd.s32 s1, s30  }
0xbb: {  	s0 =	sor.u32 s3, s0;
	s1 =	sshll.u32 s1, $0x11  }
0xbc: {  	s0 =	sor.u32 s1, s0  }
0xbd: {  	s0 =	sadd.s32 $0x8F2B, s0  }
0xbe: {  	[sflag:s0] =	ssyncadd.remote.s32 $0x1  }
0xbf: {  	_ =	sfence.sel $0xFFFF  }
0xc0: {  	[dreg:$0x0] =	wrdreg $0xFFFFFFFF;
	(pc) =	sbr.abs _section_cstart, $3  }
0xc1: {  	[dreg:$0x1] =	wrdreg $0xFFFFFFFF  }
0xc2: {  	_ =	task.clear_ibuf [dreg:s7], $0x2FFFF;
	_ =	strace $0x9FFFFFFF  }
0xc3: {  	(tm) =	ssettm $0x7FFFFFFF  }
tec
execute0_lowered:
.L_overlay_start_1:
0x0: {  	(tag) =	ssettag $0x1  }
0x1: {  	s0 =	rddreg [dreg:$0x0]  }
0x2: {  	s2 =	rddreg [dreg:$0x2]  }
0x3: {  	s21 =	simm.s32 $0x0;
	s1 =	srdreg.scid;
	s12 =	stileid.u32  }
0x4: {  	s14 =	simm.s32 $0x1;
	s16 =	simm.s32 $0x100;
	s17 =	simm.s32 $0x6580  }
0x5: {  	s18 =	simm.s32 $0x6780;
	s19 =	simm.s32 $0x6680;
	[smem:$0x7FF] =	sst s21  }
0x6: {  	s5 =	sadd.s32 $0x29AE000, s0;
	s1 =	sand.u32 $0x1, s1;
	s4 =	smul.u32 $0x33000, s12  }
0x7: {  	s6 =	sadd.s32 $0x4FB600, s0;
	s7 =	sadd.s32 $0x50F000, s0;
	s10 =	smul.u32 $0x32000, s12  }
0x8: {  	s8 =	smul.u32 $0x9C40, s12;
	s31 =	sshll.u32 s12, $0x6;
	_ =	strace $0x8000004A  }
0x9: {  	s3 =	ssub.s32 $0x2, s1;
	s9 =	smul.u32 $0xD, s1;
	p0 =	seq.s32 s1, $0x0  }
.Ltmp0:
0xa: {  	s28 =	sshrl.u32 s3, $0x1;
	s29 =	sshrl.u32 s4, $0x2;
	(pc) =	sbr.rel .LBB2_1-.Ltmp0, $4  }
0xb: {  	s30 =	sshrl.u32 s10, $0x2;
	s10 =	smul.u32 $0x190, s12;
	s12 =	sor.u32 $0x1C01, s31  }
0xc: {  	s0 =	ssub.s32 s3, s28;
	s3 =	sadd.s32 s29, s2;
	s4 =	sadd.s32 s30, s2  }
0xd: {  	s11 =	sadd.s32 $0x8000, s3;
	s0 =	smax.u32 s0, $0x1;
	s13 =	sshrl.u32 s3, $0x3  }
0xe: {  	v0 =	vlaneseq.u32;
	v1 =	vimm.s32 $0x0;
	s20 =	sshrl.u32 s4, $0x3;
	[dreg:$0x5] =	wrdreg s0;
	s15 =	sshrl.u32 s11, $0x3  }
.LBB2_20:
0xf: {  	s21 =	rddreg [dreg:$0x4]  }
0x10: {  	s0 =	rddreg [dreg:$0x5];
	s21 =	sadd.s32 $0x1, s21  }
0x11: {  	p1 =	sne.s32 s21, s0  }
.Ltmp1:
0x12: {  	_ = 	snop;
	(pc) =	sbr.rel @!p1 .LBB2_21-.Ltmp1, $1  }
0x13: {  	_ =	sdelay $0x3  }
.LBB2_1:
.Ltmp2:
0x14: {  	(pc) =	sbr.rel .LBB2_2-.Ltmp2, $2  }
0x15: {  	_ =	sdelay $0x2  }
0x16: {  	[dreg:$0x4] =	wrdreg s21;
	s21 =	simm.s32 $0x0  }
.LBB2_19:
0x17: {  	s0 =	sadd.s32 s10, s22  }
0x18: {  	s21 =	sadd.s32 $0x1, s21;
	s0 =	sshll.u32 s0, $0x4  }
0x19: {  	[bflag:$0x0] =	sbarrier.arrive $0xFFFF;
	p1 =	sne.s32 s21, $0xD;
	s0 =	sadd.s32 s7, s0  }
0x1a: {  	[hbm:s0], [sflag:s12] =	dma.local [spmem:s20], $0x1900  }
.Ltmp3:
0x1b: {  	_ =	swait.ge [sflag:s14], $0x1900;
	(pc) =	sbr.rel @!p1 .LBB2_20-.Ltmp3, $3  }
0x1c: {  	[sflag:s14] =	ssyncset.done $0x0  }
0x1d: {  	[sflag:s14] =	ssyncadd.s32 $0xFFFFE700  }
0x1e: {  	[bflag:$0x0] =	sbarrier.arrive $0xFFFF;
	_ =	sdelay $0x1  }
.LBB2_2:
0x1f: {  	p1 =	seq.s32 @!p0 s21, $0xC  }
0x20: {  	p1 =	por p0, !p1  }
.Ltmp4:
0x21: {  	_ = 	snop;
	(pc) =	sbr.rel @!p1 .LBB2_20-.Ltmp4, $1  }
0x22: {  	_ =	sdelay $0x3  }
0x23: {  	s0 =	rddreg [dreg:$0x1]  }
0x24: {  	[spmem:s13], [sflag:s12] =	dma.local [hbm:s0], $0x1000  }
0x25: {  	_ =	swait.ge [sflag:s14], $0x1000  }
0x26: {  	[sflag:s14] =	ssyncset.done $0x0  }
0x27: {  	[sflag:s14] =	ssyncadd.s32 $0xFFFFF000  }
0x28: {  	[spmem:s15], [sflag:s12] =	dma.local [hbm:s0], $0x980  }
.Ltmp5:
0x29: {  	s31 =	sadd.s32 s9, s21;
	_ =	swait.ge [sflag:s14], $0x980;
	(pc) =	sbr.rel .LBB2_4-.Ltmp5, $4  }
0x2a: {  	s22 =	smul.u32 $0x1900, s31;
	[sflag:s14] =	ssyncset.done $0x0  }
0x2b: {  	[sflag:s14] =	ssyncadd.s32 $0xFFFFF680  }
0x2c: {  	s24 =	simm.s32 $0x0;
	s0 =	sadd.s32 $0x1900, s22;
	[bflag:$0x0] =	sbarrier.arrive $0xFFFF  }
0x2d: {  	s25 =	smov.u32 s8;
	s23 =	simm.s32 $0x0;
	s26 =	simm.s32 $0x0;
	v2 =	vmov s22;
	v3 =	vmov s0  }
.LBB2_13:
0x2e: {  	s26 =	sadd.s32 $0x1, s26  }
0x2f: {  	p1 =	sne.s32 s26, $0x5  }
.Ltmp6:
0x30: {  	_ = 	snop;
	(pc) =	sbr.rel @!p1 .LBB2_14-.Ltmp6, $2  }
0x31: {  	_ =	sdelay $0x2  }
0x32: {  	s25 =	sadd.s32 $0x1F40, s25  }
.LBB2_4:
0x33: {  	s0 =	smul.u32 $0x1F40, s26;
	_ =	sdelay $0x1  }
0x34: {  	s0 =	sadd.s32 s8, s0  }
0x35: {  	s0 =	sshrl.u32 s0, $0x3  }
.Ltmp7:
0x36: {  	s0 =	sadd.s32 s6, s0;
	(pc) =	sbr.rel .LBB2_5-.Ltmp7, $4  }
0x37: {  	[tilespmem:s24], [sflag:$0x1] =	stream.linear.gather [hbm4b:s0+s24], $0x1F40, $0x38;
	[tilespmem:$0x1B380] =	vst v63  }
0x38: {  	_ =	swait.ge [sflag:s14], $0x1F40  }
0x39: {  	s28 =	smov.u32 s25;
	[sflag:s14] =	ssyncset.done $0x0  }
0x3a: {  	s29 =	simm.s32 $0x0;
	s30 =	simm.s32 $0x0;
	[sflag:s14] =	ssyncadd.s32 $0xFFFFE0C0  }
.LBB2_12:
0x3b: {  	s30 =	sadd.s32 $0x1, s30  }
0x3c: {  	p2 =	sne.s32 s30, $0x14  }
.Ltmp8:
0x3d: {  	_ = 	snop;
	(pc) =	sbr.rel @!p2 .LBB2_13-.Ltmp8, $3  }
0x3e: {  	_ =	sdelay $0x1  }
0x3f: {  	p1 =	sgt.s32 s23, $0x1FFF  }
0x40: {  	s29 =	sadd.s32 $0x190, s29;
	s28 =	sadd.s32 $0x190, s28;
	s23 =	simm.s32 @p1 $0x0  }
.LBB2_5:
0x41: {  	v4 =	vmov s29;
	_ =	sdelay $0x3  }
0x42: {  	s0 =	simm.s32 $0x0  }
0x43: {  	v5 =	vld.idx.msk [tilespmem:v4+s0+$0x0 ss:$0x1], $0xffff;
	_ =	sdelay $0x4  }
0x44: {  	vm0 =	vge.s32 v5, v2;
	vm1 =	vlt.s32 v5, v3  }
0x45: {  	vm0 =	vmand vm0, vm1  }
0x46: {  	v6 =	vsel vm0, $0x1, v1  }
0x47: {  	(xrf0) =	vadd.scan.msk.s32 $0xffff, v6;
	_ =	sdelay $0x2  }
0x48: {  	v6 =	vor.u32 s28, v0;
	_ =	sdelay $0x2  }
0x49: {  	[tilespmem:s23+$0x1F80] =	vst.msk vm0, v6;
	v6, _, _ =	vpop (xrf0)  }
0x4a: {  	v5 =	vsub.s32 v5, v2;
	(v2sf) =	vpush v6, $0xF  }
0x4b: {  	s1 =	simm.s32 $0x10;
	s4 =	simm.s32 $0x80;
	s0 =	smov.u32 s28;
	[tilespmem:s23+$0x4280] =	vst.msk vm0, v5  }
.LBB2_6:
0x4c: {  	p1 =	sne.s32 s4, $0x600;
	v5 =	vld.idx.msk [tilespmem:v4+s1+$0x0 ss:$0x1], $0xffff;
	_ =	sdelay $0x5  }
0x4d: {  	vm0 =	vge.s32 v5, v2;
	vm1 =	vlt.s32 v5, v3;
	v5 =	vsub.s32 v5, v2  }
0x4e: {  	vm0 =	vmand vm0, vm1  }
0x4f: {  	v6 =	vsel vm0, $0x1, v1  }
0x50: {  	(xrf0) =	vadd.scan.msk.s32 $0xffff, v6;
	_ =	sdelay $0x3  }
.Ltmp9:
0x51: {  	s0 =	sadd.s32 $0x10, s0;
	s1 =	spop (v2sf);
	(pc) =	sbr.rel @p1 .LBB2_6-.Ltmp9, $4  }
0x52: {  	v7 =	vor.u32 s0, v0;
	s23 =	sadd.s32 s23, s1  }
0x53: {  	[tilespmem:s23+$0x1F80] =	vst.msk vm0, v7;
	v6, _, _ =	vpop (xrf0)  }
0x54: {  	[tilespmem:s23+$0x4280] =	vst.msk vm0, v5;
	(v2sf) =	vpush v6, $0xF  }
0x55: {  	s1 =	sshra.s32 s4, $0x2;
	s4 =	sadd.s32 $0x40, s4  }
0x56: {  	_ =	sdelay $0x3  }
0x57: {  	v4 =	vld.idx.msk [tilespmem:v4+s1+$0x0 ss:$0x1], $0xffff;
	_ =	sdelay $0x4  }
0x58: {  	vm0 =	vge.s32 v4, v2;
	vm1 =	vlt.s32 v4, v3  }
0x59: {  	vm0 =	vmand vm0, vm1  }
0x5a: {  	v5 =	vsel vm0, $0x1, v1  }
0x5b: {  	(xrf0) =	vadd.scan.msk.s32 $0xffff, v5;
	_ =	sdelay $0x5  }
0x5c: {  	v5, _, _ =	vpop (xrf0)  }
0x5d: {  	(v2sf) =	vpush v5, $0xF;
	_ =	sdelay $0xd  }
0x5e: {  	s11 =	spop (v2sf)  }
0x5f: {  	s0 =	sadd.s32 $0x10, s0;
	s1 =	sadd.s32 s23, s11;
	s3 =	spop (v2sf)  }
0x60: {  	v5 =	vor.u32 s0, v0;
	s23 =	sadd.s32 s1, s3  }
0x61: {  	v4 =	vsub.s32 v4, v2;
	[tilespmem:s1+$0x1F80] =	vst.msk vm0, v5;
	p1 =	slt.s32 s23, $0x2000  }
0x62: {  	[tilespmem:s1+$0x4280] =	vst.msk vm0, v4;
	v4 =	vlaneseq.u32 @!p1  }
0x63: {  	[tilespmem:s23+$0x1F80] =	vst @!p1 v4  }
0x64: {  	[tilespmem:s23+$0x1F90] =	vst @!p1 v4  }
0x65: {  	[tilespmem:s23+$0x1FA0] =	vst @!p1 v4  }
0x66: {  	[tilespmem:s23+$0x1FB0] =	vst @!p1 v4  }
0x67: {  	[tilespmem:s23+$0x1FC0] =	vst @!p1 v4  }
0x68: {  	[tilespmem:s23+$0x1FD0] =	vst @!p1 v4  }
0x69: {  	[tilespmem:s23+$0x1FE0] =	vst @!p1 v4  }
0x6a: {  	[tilespmem:s23+$0x1FF0] =	vst @!p1 v4  }
0x6b: {  	[tilespmem:s23+$0x2000] =	vst @!p1 v4  }
0x6c: {  	[tilespmem:s23+$0x2010] =	vst @!p1 v4  }
0x6d: {  	[tilespmem:s23+$0x2020] =	vst @!p1 v4  }
0x6e: {  	[tilespmem:s23+$0x2030] =	vst @!p1 v4  }
0x6f: {  	[tilespmem:s23+$0x2040] =	vst @!p1 v4  }
0x70: {  	[tilespmem:s23+$0x2050] =	vst @!p1 v4  }
0x71: {  	[tilespmem:s23+$0x2060] =	vst @!p1 v4  }
0x72: {  	v5 =	vor.u32 @!p1 $0x1900, v4;
	[tilespmem:s23+$0x2070] =	vst @!p1 v4  }
0x73: {  	[tilespmem:s23+$0x4280] =	vst @!p1 v5  }
0x74: {  	s0 =	sadd.s32 @!p1 $0xFF, s23;
	[tilespmem:s23+$0x4290] =	vst @!p1 v5  }
0x75: {  	s1 =	sand.u32 @!p1 $0xFF, s0;
	[tilespmem:s23+$0x42A0] =	vst @!p1 v5  }
0x76: {  	p2 =	slt.s32 @!p1 s0, $0x0;
	[tilespmem:s23+$0x42B0] =	vst @!p1 v5;
	p3 =	sne.s32 @!p1 s1, $0x0  }
0x77: {  	[tilespmem:s23+$0x42C0] =	vst @!p1 v5;
	s1 =	sshra.s32 @!p1 s0, $0x1F;
	p2 =	por @!p1 !p2, !p3  }
0x78: {  	[tilespmem:s23+$0x42D0] =	vst @!p1 v5;
	s1 =	sshrl.u32 @!p1 s1, $0x18;
	p2 =	por @!p1 !p2, !p2  }
0x79: {  	[tilespmem:s23+$0x42E0] =	vst @!p1 v5;
	s0 =	sadd.s32 @!p1 s1, s0;
	s1 =	simm.s32 @!p1 $0x1;
	p2 =	por !p2, p1  }
0x7a: {  	[tilespmem:s23+$0x42F0] =	vst @!p1 v5;
	s0 =	sshra.s32 @!p1 s0, $0x8;
	s1 =	simm.s32 @p2 $0x0  }
0x7b: {  	[tilespmem:s23+$0x4300] =	vst @!p1 v5;
	s31 =	ssub.s32 @!p1 s0, s1  }
0x7c: {  	[tilespmem:s23+$0x4310] =	vst @!p1 v5;
	p2 =	slt.s32 @!p1 s31, $0x1  }
0x7d: {  	[tilespmem:s23+$0x4320] =	vst @!p1 v5;
	p2 =	por p1, p2  }
.Ltmp10:
0x7e: {  	[tilespmem:s23+$0x4330] =	vst @!p1 v5;
	(pc) =	sbr.rel @p2 .LBB2_12-.Ltmp10, $4  }
0x7f: {  	[tilespmem:s23+$0x4340] =	vst @!p1 v5  }
0x80: {  	[tilespmem:s23+$0x4350] =	vst @!p1 v5  }
0x81: {  	[tilespmem:s23+$0x4360] =	vst @!p1 v5  }
0x82: {  	[tilespmem:s23+$0x4370] =	vst @!p1 v5  }
0x83: {  	s0 =	simm.s32 @!p1 $0x0;
	s4 =	simm.s32 @!p1 $0x1F80;
	s11 =	simm.s32 @!p1 $0x4280  }
.LBB2_9:
0x84: {  	v5 =	vmov s4;
	_ =	sdelay $0x3  }
0x85: {  	v4 =	vmov s11;
	s3 =	simm.s32 $0x0;
	s1 =	simm.s32 $0x40  }
.LBB2_10:
0x86: {  	p1 =	sne.s32 s1, $0x3C0;
	v6 =	vld.idx.msk [tilespmem:v5+s3+$0x0 ss:$0x1], $0xffff;
	_ =	sdelay $0x5  }
0x87: {  	[tilespmem:s3+$0x6580] =	vst v6  }
0x88: {  	v6 =	vld.idx.msk [tilespmem:v4+s3+$0x0 ss:$0x1], $0xffff;
	_ =	sdelay $0x1  }
.Ltmp11:
0x89: {  	(pc) =	sbr.rel @p1 .LBB2_10-.Ltmp11, $2  }
0x8a: {  	_ =	sdelay $0x2  }
0x8b: {  	[tilespmem:s3+$0x6680] =	vst v6;
	s3 =	sshra.s32 s1, $0x2;
	s1 =	sadd.s32 $0x40, s1  }
0x8c: {  	_ =	sdelay $0x3  }
0x8d: {  	v5 =	vld.idx.msk [tilespmem:v5+s3+$0x0 ss:$0x1], $0xffff;
	_ =	sdelay $0x4  }
0x8e: {  	[tilespmem:s3+$0x6580] =	vst v5  }
0x8f: {  	v4 =	vld.idx.msk [tilespmem:v4+s3+$0x0 ss:$0x1], $0xffff;
	_ =	sdelay $0x4  }
0x90: {  	[tilespmem:s3+$0x6680] =	vst v4  }
0x91: {  	[tilespmem:s18], [sflag:$0x1] =	stream.indirect.gather [hbm4b:s5+s16], $0x80, s17, s16, $0xb8;
	[tilespmem:$0x1B380] =	vst v63  }
0x92: {  	_ =	swait.ge [sflag:s14], $0x8000  }
0x93: {  	s0 =	sadd.s32 $0x1, s0;
	[sflag:s14] =	ssyncset.done $0x0  }
0x94: {  	p1 =	sne.s32 s0, s31;
	[sflag:s14] =	ssyncadd.s32 $0xFFFF8000  }
0x95: {  	[spmem:s2] =	stream.indirect.scatter.add.f32 [tilespmem:s18], [sflag:$0x1], $0x80, s19, s16, $0xb8;
	[tilespmem:$0x1B380] =	vst v63  }
.Ltmp12:
0x96: {  	_ = 	snop;
	(pc) =	sbr.rel @p1 .LBB2_9-.Ltmp12, $4  }
.Ltmp13:
0x97: {  	_ = 	snop;
	(pc) =	sbr.rel @!p1 .LBB2_12-.Ltmp13, $4  }
0x98: {  	_ =	swait.ge [sflag:s14], $0x8000  }
0x99: {  	[sflag:s14] =	ssyncset.done $0x0  }
0x9a: {  	s4 =	sadd.s32 $0x100, s4;
	s11 =	sadd.s32 $0x100, s11;
	[sflag:s14] =	ssyncadd.s32 $0xFFFF8000  }
0x9b: {  	_ = 	snop  }
.LBB2_14:
0x9c: {  	p1 =	slt.s32 s23, $0x1  }
0x9d: {  	v2 =	vlaneseq.u32 @!p1  }
0x9e: {  	[tilespmem:s23+$0x1F80] =	vst @!p1 v2  }
0x9f: {  	[tilespmem:s23+$0x1F90] =	vst @!p1 v2  }
0xa0: {  	[tilespmem:s23+$0x1FA0] =	vst @!p1 v2  }
0xa1: {  	[tilespmem:s23+$0x1FB0] =	vst @!p1 v2  }
0xa2: {  	[tilespmem:s23+$0x1FC0] =	vst @!p1 v2  }
0xa3: {  	[tilespmem:s23+$0x1FD0] =	vst @!p1 v2  }
0xa4: {  	[tilespmem:s23+$0x1FE0] =	vst @!p1 v2  }
0xa5: {  	[tilespmem:s23+$0x1FF0] =	vst @!p1 v2  }
0xa6: {  	[tilespmem:s23+$0x2000] =	vst @!p1 v2  }
0xa7: {  	[tilespmem:s23+$0x2010] =	vst @!p1 v2  }
0xa8: {  	[tilespmem:s23+$0x2020] =	vst @!p1 v2  }
0xa9: {  	[tilespmem:s23+$0x2030] =	vst @!p1 v2  }
0xaa: {  	[tilespmem:s23+$0x2040] =	vst @!p1 v2  }
0xab: {  	[tilespmem:s23+$0x2050] =	vst @!p1 v2  }
0xac: {  	[tilespmem:s23+$0x2060] =	vst @!p1 v2  }
0xad: {  	v3 =	vor.u32 @!p1 $0x1900, v2;
	[tilespmem:s23+$0x2070] =	vst @!p1 v2  }
0xae: {  	[tilespmem:s23+$0x4280] =	vst @!p1 v3  }
0xaf: {  	s0 =	sadd.s32 @!p1 $0xFF, s23;
	[tilespmem:s23+$0x4290] =	vst @!p1 v3  }
0xb0: {  	s1 =	sand.u32 @!p1 $0xFF, s0;
	[tilespmem:s23+$0x42A0] =	vst @!p1 v3  }
0xb1: {  	p2 =	slt.s32 @!p1 s0, $0x0;
	[tilespmem:s23+$0x42B0] =	vst @!p1 v3;
	p3 =	sne.s32 @!p1 s1, $0x0  }
0xb2: {  	[tilespmem:s23+$0x42C0] =	vst @!p1 v3;
	s1 =	sshra.s32 @!p1 s0, $0x1F;
	p2 =	por @!p1 !p2, !p3  }
0xb3: {  	[tilespmem:s23+$0x42D0] =	vst @!p1 v3;
	s1 =	sshrl.u32 @!p1 s1, $0x18;
	p2 =	por @!p1 !p2, !p2  }
0xb4: {  	[tilespmem:s23+$0x42E0] =	vst @!p1 v3;
	s0 =	sadd.s32 @!p1 s1, s0;
	s1 =	simm.s32 @!p1 $0x1;
	p2 =	por !p2, p1  }
0xb5: {  	[tilespmem:s23+$0x42F0] =	vst @!p1 v3;
	s0 =	sshra.s32 @!p1 s0, $0x8;
	s1 =	simm.s32 @p2 $0x0  }
0xb6: {  	[tilespmem:s23+$0x4300] =	vst @!p1 v3;
	s24 =	ssub.s32 @!p1 s0, s1  }
0xb7: {  	[tilespmem:s23+$0x4310] =	vst @!p1 v3;
	p2 =	slt.s32 @!p1 s24, $0x1  }
0xb8: {  	[tilespmem:s23+$0x4320] =	vst @!p1 v3;
	p2 =	por p1, p2  }
.Ltmp14:
0xb9: {  	[tilespmem:s23+$0x4330] =	vst @!p1 v3;
	(pc) =	sbr.rel @p2 .LBB2_19-.Ltmp14, $4  }
0xba: {  	[tilespmem:s23+$0x4340] =	vst @!p1 v3  }
0xbb: {  	[tilespmem:s23+$0x4350] =	vst @!p1 v3  }
0xbc: {  	[tilespmem:s23+$0x4360] =	vst @!p1 v3  }
0xbd: {  	[tilespmem:s23+$0x4370] =	vst @!p1 v3  }
0xbe: {  	s0 =	simm.s32 @!p1 $0x0;
	s4 =	simm.s32 @!p1 $0x1F80;
	s11 =	simm.s32 @!p1 $0x4280  }
.LBB2_16:
0xbf: {  	v3 =	vmov s4;
	_ =	sdelay $0x3  }
0xc0: {  	v2 =	vmov s11;
	s3 =	simm.s32 $0x0;
	s1 =	simm.s32 $0x40  }
.LBB2_17:
0xc1: {  	p1 =	sne.s32 s1, $0x3C0;
	v4 =	vld.idx.msk [tilespmem:v3+s3+$0x0 ss:$0x1], $0xffff;
	_ =	sdelay $0x5  }
0xc2: {  	[tilespmem:s3+$0x6580] =	vst v4  }
0xc3: {  	v4 =	vld.idx.msk [tilespmem:v2+s3+$0x0 ss:$0x1], $0xffff;
	_ =	sdelay $0x1  }
.Ltmp15:
0xc4: {  	(pc) =	sbr.rel @p1 .LBB2_17-.Ltmp15, $2  }
0xc5: {  	_ =	sdelay $0x2  }
0xc6: {  	[tilespmem:s3+$0x6680] =	vst v4;
	s3 =	sshra.s32 s1, $0x2;
	s1 =	sadd.s32 $0x40, s1  }
0xc7: {  	_ =	sdelay $0x3  }
0xc8: {  	v3 =	vld.idx.msk [tilespmem:v3+s3+$0x0 ss:$0x1], $0xffff;
	_ =	sdelay $0x4  }
0xc9: {  	[tilespmem:s3+$0x6580] =	vst v3  }
0xca: {  	v2 =	vld.idx.msk [tilespmem:v2+s3+$0x0 ss:$0x1], $0xffff;
	_ =	sdelay $0x4  }
0xcb: {  	[tilespmem:s3+$0x6680] =	vst v2  }
0xcc: {  	[tilespmem:s18], [sflag:$0x1] =	stream.indirect.gather [hbm4b:s5+s16], $0x80, s17, s16, $0xb8;
	[tilespmem:$0x1B380] =	vst v63  }
0xcd: {  	_ =	swait.ge [sflag:s14], $0x8000  }
0xce: {  	s0 =	sadd.s32 $0x1, s0;
	[sflag:s14] =	ssyncset.done $0x0  }
0xcf: {  	p1 =	sne.s32 s0, s24;
	[sflag:s14] =	ssyncadd.s32 $0xFFFF8000  }
0xd0: {  	[spmem:s2] =	stream.indirect.scatter.add.f32 [tilespmem:s18], [sflag:$0x1], $0x80, s19, s16, $0xb8;
	[tilespmem:$0x1B380] =	vst v63  }
.Ltmp16:
0xd1: {  	_ = 	snop;
	(pc) =	sbr.rel @p1 .LBB2_16-.Ltmp16, $4  }
.Ltmp17:
0xd2: {  	_ = 	snop;
	(pc) =	sbr.rel @!p1 .LBB2_19-.Ltmp17, $4  }
0xd3: {  	_ =	swait.ge [sflag:s14], $0x8000  }
0xd4: {  	[sflag:s14] =	ssyncset.done $0x0  }
0xd5: {  	s4 =	sadd.s32 $0x100, s4;
	s11 =	sadd.s32 $0x100, s11;
	[sflag:s14] =	ssyncadd.s32 $0xFFFF8000  }
0xd6: {  	_ = 	snop  }
.LBB2_21:
0xd7: {  	_ =	sfence.sel $0x180000  }
0xd8: {  	[bflag:$0x0] =	sbarrier.arrive $0xFFFF  }
0xd9: {  	_ =	strace $0x9000004A  }
0xda: {  	s0 =	stileid.u32;
	[bflag:$0x2] =	sbarrier.arrive $0xFFFF  }
0xdb: {  	p0 =	sne.s32 s0, $0x0;
	s0 =	rddreg [dreg:$0x3]  }
0xdc: {  	s0 =	sadd.s32 @!p0 $0x100000, s0  }
0xdd: {  	[sflag:s0] =	ssyncadd.tile.s32 @!p0 $0x1;
	_ =	shalt  }
.Lfunc_end2:
_tile_overlayer_lowered:
.L_overlay_start_2:
0xde: {  	(tag) =	ssettag $0x2  }
0xdf: {  	s0 =	rddreg [dreg:$0x0];
	s2 =	stileid.u32  }
0xe0: {  	s1 =	rddreg [dreg:$0x1];
	p0 =	sne.s32 s2, $0x0  }
0xe1: {  	s3 =	rddreg [dreg:$0x2];
	[bflag:$0x3] =	sbarrier.arrive $0xFFFF;
	s2 =	simm.s32 @!p0 $0x1C01  }
0xe2: {  	[timem:s3], [sflag:s2] =	dma.local @!p0 [hbm:s0], s1  }
0xe3: {  	s0 =	simm.s32 @!p0 $0x1  }
0xe4: {  	_ =	swait.ge @!p0 [sflag:s0], s1  }
0xe5: {  	s1 =	ssub.s32 @!p0 $0x0, s1;
	[sflag:s0] =	ssyncset.done @!p0 $0x0  }
0xe6: {  	[sflag:s0] =	ssyncadd.s32 @!p0 s1  }
0xe7: {  	[bflag:$0x3] =	sbarrier.arrive $0xFFFF  }
0xe8: {  	_ =	shalt  }

// kernel: kernel.7.cloned.1.call-start
scs
__scs_entry_jumppad:
0x0: {  	(pc) =	sbr.rel $0x88, $3  }
0x1: {  	(tag) =	ssettag $0x0;
	lr =	simm.s32 $0x1  }
0x2: {  	[smem:$0x3F87] =	sst lr;
	_ =	strace $0xD0000000  }
0x3: {  	_ = 	snop  }
0x4: {  	_ = 	snop  }
0x5: {  	_ = 	snop  }
0x6: {  	_ = 	snop  }
0x7: {  	_ = 	snop  }
__scs_overlays_trampoline_lowered:
0x8: {  	[smem:$0x3F96] =	sst s0  }
0x9: {  	[smem:$0x3F97] =	sst s1  }
0xa: {  	[smem:$0x3F98] =	sst s2  }
0xb: {  	[smem:$0x3F99] =	sst s3  }
0xc: {  	[smem:$0x3F9A] =	sst s4  }
0xd: {  	[smem:$0x3F9B] =	sst s5  }
0xe: {  	[smem:$0x3F9C] =	sst s6  }
0xf: {  	[smem:$0x3F9D] =	sst s7  }
0x10: {  	[smem:$0x3F9E] =	sst s8  }
0x11: {  	[smem:$0x3F9F] =	sst s9;
	s0 =	simm.s32 @!p0 $0x0  }
0x12: {  	s1 =	sld [smem:$0x3F85];
	s0 =	simm.s32 @p0 $0x1  }
0x13: {  	[smem:$0x3FA0] =	sst s0;
	s0 =	simm.s32 @!p1 $0x0  }
0x14: {  	s2 =	sld [smem:$0x3F84];
	s0 =	simm.s32 @p1 $0x1  }
0x15: {  	[smem:$0x3FA1] =	sst s0;
	s0 =	simm.s32 @!p2 $0x0  }
0x16: {  	s3 =	sld [smem:$0x3FDB];
	s0 =	simm.s32 @p2 $0x1  }
0x17: {  	s4 =	simm.s32 $0x1BF5;
	[smem:$0x3FA3] =	sst s0  }
0x18: {  	s0 =	sld [smem:$0x3F86];
	_ =	swait.ge [sflag:s4], $0x0  }
0x19: {  	s7 =	sld [smem:$0x3F87]  }
0x1a: {  	s8 =	sadd.s32 $0xFFFFE003, lr  }
0x1b: {  	s9 =	sadd.s32 $0xFFFFFEF7, lr;
	s5 =	simm.s32 $0xFFFFFFFF;
	p2 =	slt.u32 s8, $0xFFFFF086  }
0x1c: {  	p1 =	slt.u32 s9, $0xF7A;
	s5 =	simm.s32 @!p2 $0x0  }
0x1d: {  	s5 =	simm.s32 @p1 $0x1;
	p0 =	seq.s32 s7, s2  }
0x1e: {  	s7 =	smul.u32 @!p0 $0xF7A, s2;
	p2 =	seq.s32 @!p0 s5, $0x0  }
0x1f: {  	s9 =	smul.u32 $0xF7A, s1;
	s8 =	simm.s32 @!p0 $0x1BF5;
	p2 =	por !p2, p0  }
0x20: {  	[sflag:s8] =	ssyncset.s32 @!p0 $0xFFFFF086;
	s6 =	sadd.s32 @!p0 s3, s7;
	s7 =	simm.s32 @!p0 $0x108  }
0x21: {  	s3 =	sadd.s32 s3, s9;
	s6 =	sadd.s32 @!p0 $0x88, s6;
	s7 =	simm.s32 @p2 $0x1082  }
0x22: {  	[simem:s7], [sflag:s8] =	dma.local @!p0 [hbm:s6], $0xF7A  }
0x23: {  	s9 =	sor.u32 $0xD0000000, s2;
	s6 =	simm.s32 $0x108;
	_ =	swait.ge @!p0 [sflag:s8], $0x0  }
0x24: {  	s3 =	sadd.s32 $0x88, s3;
	s6 =	simm.s32 @!p1 $0x1082;
	[sflag:s4] =	ssyncset.s32 $0xFFFFF086  }
0x25: {  	[simem:s6], [sflag:s4] =	dma.local [hbm:s3], $0xF7A  }
0x26: {  	[smem:$0x3F87] =	sst s1;
	(tag) =	ssettag s2;
	_ =	strace s9  }
0x27: {  	s1 =	sld [smem:$0x3F97]  }
0x28: {  	s2 =	sld [smem:$0x3F98]  }
0x29: {  	s4 =	sld [smem:$0x3F9A]  }
0x2a: {  	p0 =	seq.s32 s5, $0x0;
	s5 =	sld [smem:$0x3F9B]  }
0x2b: {  	s6 =	sld [smem:$0x3F9C]  }
0x2c: {  	s7 =	sld [smem:$0x3F9D]  }
0x2d: {  	s3 =	simm.s32 $0x108;
	s8 =	sld [smem:$0x3F9E]  }
0x2e: {  	s3 =	simm.s32 @!p0 $0x1082;
	s9 =	sld [smem:$0x3F9F]  }
0x2f: {  	lr =	sadd.s32 s0, s3;
	s0 =	sld [smem:$0x3F96]  }
0x30: {  	s3 =	sld [smem:$0x3F99]  }
0x31: {  	[smem:$0x3FA2] =	sst s10  }
0x32: {  	s10 =	sld [smem:$0x3FA0];
	_ =	sdelay $0x3  }
0x33: {  	p0 =	seq.s32 s10, $0x1;
	s10 =	sld [smem:$0x3FA2];
	_ =	sdelay $0x3  }
0x34: {  	[smem:$0x3FA2] =	sst s10  }
0x35: {  	s10 =	sld [smem:$0x3FA1];
	_ =	sdelay $0x3  }
0x36: {  	p1 =	seq.s32 s10, $0x1;
	s10 =	sld [smem:$0x3FA2];
	_ =	sdelay $0x3  }
0x37: {  	[smem:$0x3FA2] =	sst s10  }
0x38: {  	s10 =	sld [smem:$0x3FA3]  }
0x39: {  	_ = 	snop;
	(pc) =	sbr.ind lr, $3  }
0x3a: {  	_ = 	snop  }
0x3b: {  	_ = 	snop  }
0x3c: {  	p2 =	seq.s32 s10, $0x1;
	s10 =	sld [smem:$0x3FA2]  }
0x3d: {  	_ =	shalt  }
0x3e: {  	_ =	shalt  }
0x3f: {  	_ =	shalt  }
0x40: {  	_ =	shalt  }
0x41: {  	_ =	shalt  }
0x42: {  	_ =	shalt  }
0x43: {  	_ =	shalt  }
0x44: {  	_ =	shalt  }
0x45: {  	_ =	shalt  }
0x46: {  	_ =	shalt  }
0x47: {  	_ =	shalt  }
0x48: {  	_ =	shalt  }
0x49: {  	_ =	shalt  }
0x4a: {  	_ =	shalt  }
0x4b: {  	_ =	shalt  }
0x4c: {  	_ =	shalt  }
0x4d: {  	_ =	shalt  }
0x4e: {  	_ =	shalt  }
0x4f: {  	_ =	shalt  }
0x50: {  	_ =	shalt  }
0x51: {  	_ =	shalt  }
0x52: {  	_ =	shalt  }
0x53: {  	_ =	shalt  }
0x54: {  	_ =	shalt  }
0x55: {  	_ =	shalt  }
0x56: {  	_ =	shalt  }
0x57: {  	_ =	shalt  }
0x58: {  	_ =	shalt  }
0x59: {  	_ =	shalt  }
0x5a: {  	_ =	shalt  }
0x5b: {  	_ =	shalt  }
0x5c: {  	_ =	shalt  }
0x5d: {  	_ =	shalt  }
0x5e: {  	_ =	shalt  }
0x5f: {  	_ =	shalt  }
0x60: {  	_ =	shalt  }
0x61: {  	_ =	shalt  }
0x62: {  	_ =	shalt  }
0x63: {  	_ =	shalt  }
0x64: {  	_ =	shalt  }
0x65: {  	_ =	shalt  }
0x66: {  	_ =	shalt  }
0x67: {  	_ =	shalt  }
0x68: {  	_ =	shalt  }
0x69: {  	_ =	shalt  }
0x6a: {  	_ =	shalt  }
0x6b: {  	_ =	shalt  }
0x6c: {  	_ =	shalt  }
0x6d: {  	_ =	shalt  }
0x6e: {  	_ =	shalt  }
0x6f: {  	_ =	shalt  }
0x70: {  	_ =	shalt  }
0x71: {  	_ =	shalt  }
0x72: {  	_ =	shalt  }
0x73: {  	_ =	shalt  }
0x74: {  	_ =	shalt  }
0x75: {  	_ =	shalt  }
0x76: {  	_ =	shalt  }
0x77: {  	_ =	shalt  }
0x78: {  	_ =	shalt  }
0x79: {  	_ =	shalt  }
0x7a: {  	_ =	shalt  }
0x7b: {  	_ =	shalt  }
0x7c: {  	_ =	shalt  }
0x7d: {  	_ =	shalt  }
0x7e: {  	_ =	shalt  }
0x7f: {  	_ =	shalt  }
0x80: {  	_ =	shalt  }
0x81: {  	_ =	shalt  }
0x82: {  	_ =	shalt  }
0x83: {  	_ =	shalt  }
0x84: {  	_ =	shalt  }
0x85: {  	_ =	shalt  }
0x86: {  	_ =	shalt  }
0x87: {  	_ =	shalt  }
.Lfunc_end0:
.L_simem_size_0:
called_computation_lowered:
.L_overlay_start_0:
0x88: {  	s2 =	sld [smem:$0x3FD9]  }
0x89: {  	s3 =	sld [smem:$0x3FFE];
	_ =	sdelay $0x1  }
0x8a: {  	s1 =	srdreg.scid  }
0x8b: {  	s0 =	sand.u32 $0x1, s1  }
0x8c: {  	s16 =	sshll.u32 s0, $0xA;
	s2 =	sadd.s32 s3, s2  }
0x8d: {  	s2 =	sadd.s32 s2, s16  }
0x8e: {  	[smem:$0x3FAE] =	sst s2  }
0x8f: {  	_ = 	snop  }
0x90: {  	(tm) =	ssettm $0x1  }
0x91: {  	s17 =	sld [smem:$0x3FFB];
	_ =	sdelay $0x3  }
0x92: {  	_ =	strace s17  }
0x93: {  	s2 =	sld [smem:$0x3FFC];
	_ =	sdelay $0x3  }
0x94: {  	_ =	strace s2  }
0x95: {  	s2 =	sld [smem:$0x3FFD];
	_ =	sdelay $0x3  }
0x96: {  	_ =	strace s2  }
0x97: {  	_ =	strace $0x8FFFFFFF  }
0x98: {  	s18 =	sld [smem:$0x3FDB];
	_ =	sdelay $0x1  }
0x99: {  	s19 =	simm.s32 $_scs_section_size  }
0x9a: {  	s4 =	simm.s32 $_size__tile_overlayer_lowered;
	s5 =	simm.s32 $_tile_overlayer_lowered  }
0x9b: {  	s22 =	simm.s32 $0x1BFF;
	s21 =	sshll.u32 s5, $0x1;
	s2 =	sadd.s32 s19, s18  }
0x9c: {  	s6 =	simm.s32 $0x0;
	s20 =	sshll.u32 s4, $0x1;
	s4 =	sadd.s32 s21, s2  }
0x9d: {  	[timem:s6], [sflag:s22] =	dma.local [hbm:s4], s20  }
0x9e: {  	_ =	swait.ge [sflag:s22], s20  }
0x9f: {  	s3 =	ssub.s32 $0x0, s20;
	[sflag:s22] =	ssyncset.done $0x0  }
0xa0: {  	[sflag:s22] =	ssyncadd.s32 s3;
	_ =	sdelay $0x1  }
0xa1: {  	s23 =	simm.s32 $0x1B8B  }
0xa2: {  	_ =	swait.ge [sflag:s23], $0x1  }
0xa3: {  	[sflag:s23] =	ssyncset.done $0x0  }
0xa4: {  	s25 =	simm.s32 $0x1B8E;
	s24 =	sld [smem:$0x3FFE];
	[sflag:s23] =	ssyncadd.s32 $0xFFFFFFFF  }
0xa5: {  	s26 =	simm.s32 $execute0_lowered;
	[smem:$0x3FD2] =	sst s25  }
0xa6: {  	s4 =	sshll.u32 s26, $0x1;
	_ =	strace $0x80000046;
	[dreg:$0x1] =	wrdreg $0xFFFFFFFF  }
0xa7: {  	s28 =	simm.s32 $_size_execute0_lowered;
	s2 =	sadd.s32 s2, s4;
	[dreg:$0x0] =	wrdreg $0x0  }
0xa8: {  	s4 =	sshll.u32 s28, $0x1;
	[dreg:$0x2] =	wrdreg s2  }
0xa9: {  	[dreg:$0x3] =	wrdreg s4  }
0xaa: {  	[dreg:$0x4] =	wrdreg $0xC0  }
0xab: {  	_ =	task [dreg:s6], $0x5FFFF  }
0xac: {  	[dreg:$0x1] =	wrdreg $0xFFFFFFFF  }
0xad: {  	[dreg:$0x0] =	wrdreg $0x60  }
0xae: {  	[dreg:$0x2] =	wrdreg s24  }
0xaf: {  	[dreg:$0x3] =	wrdreg $0x9  }
0xb0: {  	_ =	task.clear_ibuf [dreg:s6], $0x4FFFF;
	_ =	strace $0x90000046  }
0xb1: {  	s29 =	simm.s32 $0x9;
	_ =	strace $0x80000048  }
0xb2: {  	_ =	swait.ge [sflag:s29], $0x1  }
0xb3: {  	[sflag:s29] =	ssyncadd.s32 $0xFFFFFFFF  }
0xb4: {  	_ =	strace $0x90000048  }
0xb5: {  	_ =	sfence  }
0xb6: {  	s30 =	sld [smem:$0x0];
	_ =	sdelay $0x2  }
0xb7: {  	s31 =	sshll.u32 s1, $0xD;
	s1 =	sshrl.u32 s1, $0x2  }
0xb8: {  	s3 =	sand.u32 $0x4000, s31;
	s1 =	sadd.s32 s1, s30  }
0xb9: {  	s0 =	sor.u32 s3, s0;
	s1 =	sshll.u32 s1, $0x11  }
0xba: {  	s0 =	sor.u32 s1, s0  }
0xbb: {  	s0 =	sadd.s32 $0x8F2B, s0  }
0xbc: {  	[sflag:s0] =	ssyncadd.remote.s32 $0x1  }
0xbd: {  	_ =	sfence.sel $0xFFFF  }
0xbe: {  	[dreg:$0x0] =	wrdreg $0xFFFFFFFF;
	(pc) =	sbr.abs _section_cstart, $3  }
0xbf: {  	[dreg:$0x1] =	wrdreg $0xFFFFFFFF  }
0xc0: {  	_ =	task.clear_ibuf [dreg:s6], $0x2FFFF;
	_ =	strace $0x9FFFFFFF  }
0xc1: {  	(tm) =	ssettm $0x7FFFFFFF  }
tec
execute0_lowered:
.L_overlay_start_1:
0x0: {  	(tag) =	ssettag $0x1  }
0x1: {  	s1 =	srdreg.scid  }
0x2: {  	s0 =	stileid.u32;
	s5 =	rddreg [dreg:$0x0];
	s2 =	simm.s32 $0x0  }
0x3: {  	s12 =	simm.s32 $0xA0;
	s13 =	simm.s32 $0x9D00;
	s14 =	simm.s32 $0xED00  }
0x4: {  	s15 =	simm.s32 $0x13D00;
	s6 =	sand.u32 $0x1, s1;
	s1 =	rddreg [dreg:$0x1]  }
0x5: {  	s16 =	simm.s32 $0x0;
	s3 =	sshll.u32 s0, $0x1;
	[smem:$0x7FF] =	sst s2  }
0x6: {  	s4 =	sadd.s32 $0x780000, s5;
	s8 =	smul.u32 $0x9C400, s0;
	s3 =	sor.u32 s6, s3  }
0x7: {  	_ =	strace $0x80000047;
	s9 =	ssub.s32 $0x2, s6;
	s7 =	smul.u32 $0x4E20, s3  }
0x8: {  	s11 =	smul.u32 $0x4E200, s6;
	s3 =	sadd.s32 $0x50F000, s5;
	s10 =	sshrl.u32 s9, $0x1  }
0x9: {  	s8 =	sadd.s32 s8, s5;
	s9 =	ssub.s32 s9, s10;
	s7 =	sshrl.u32 s7, $0x3  }
0xa: {  	s31 =	sadd.s32 s11, s8;
	s11 =	simm.s32 $0x1;
	s7 =	sadd.s32 s7, s5  }
0xb: {  	s8 =	sadd.s32 $0xC62000, s31;
	s10 =	sadd.s32 $0x1FEA000, s31;
	s5 =	sadd.s32 $0x4E7C00, s7  }
0xc: {  	s6 =	sadd.s32 $0x4FB600, s7;
	s7 =	smax.u32 s9, $0x1;
	s9 =	sadd.s32 $0x1626000, s31  }
.LBB2_1:
0xd: {  	[tilespmem:s2], [sflag:$0x1] =	stream.linear.gather [hbm4b:s5+s2], $0x4E20, $0x38;
	[tilespmem:$0x18D00] =	vst v63  }
0xe: {  	_ =	swait.ge [sflag:s11], $0x4E20  }
0xf: {  	[sflag:s11] =	ssyncset.done $0x0  }
0x10: {  	s17 =	simm.s32 $0x4E80;
	[sflag:s11] =	ssyncadd.s32 $0xFFFFB1E0  }
0x11: {  	[tilespmem:s17], [sflag:$0x1] =	stream.linear.gather [hbm4b:s6+s2], $0x4E20, $0x38;
	[tilespmem:$0x18D00] =	vst v63  }
0x12: {  	_ =	swait.ge [sflag:s11], $0x4E20  }
0x13: {  	[sflag:s11] =	ssyncset.done $0x0  }
0x14: {  	[sflag:s11] =	ssyncadd.s32 $0xFFFFB1E0  }
0x15: {  	[tilespmem:s13], [sflag:$0x1] =	stream.indirect.gather [hbm4b:s3+s12], $0x80, s2, s12, $0xb8;
	[tilespmem:$0x18D00] =	vst v63  }
0x16: {  	_ =	swait.ge [sflag:s11], $0x5000  }
0x17: {  	[sflag:s11] =	ssyncset.done $0x0  }
0x18: {  	[sflag:s11] =	ssyncadd.s32 $0xFFFFB000  }
0x19: {  	[tilespmem:s14], [sflag:$0x1] =	stream.indirect.gather [hbm4b:s4+s12], $0x80, s2, s12, $0xb8;
	[tilespmem:$0x18D00] =	vst v63  }
0x1a: {  	_ =	swait.ge [sflag:s11], $0x5000  }
0x1b: {  	[sflag:s11] =	ssyncset.done $0x0  }
0x1c: {  	[sflag:s11] =	ssyncadd.s32 $0xFFFFB000  }
0x1d: {  	[tilespmem:s15], [sflag:$0x1] =	stream.indirect.gather [hbm4b:s4+s12], $0x80, s17, s12, $0xb8;
	[tilespmem:$0x18D00] =	vst v63  }
0x1e: {  	_ =	swait.ge [sflag:s11], $0x5000  }
0x1f: {  	[sflag:s11] =	ssyncset.done $0x0  }
0x20: {  	s18 =	sadd.s32 $0x0, s8;
	[sflag:s11] =	ssyncadd.s32 $0xFFFFB000  }
0x21: {  	[hbm4b:s18+s2] =	stream.linear.scatter [tilespmem:s13], [sflag:$0x1], $0x5000, $0x38;
	[tilespmem:$0x18D00] =	vst v63  }
0x22: {  	_ =	swait.ge [sflag:s11], $0x5000  }
0x23: {  	[sflag:s11] =	ssyncset.done $0x0  }
0x24: {  	s30 =	sadd.s32 $0x0, s9;
	[sflag:s11] =	ssyncadd.s32 $0xFFFFB000  }
0x25: {  	[hbm4b:s30+s2] =	stream.linear.scatter [tilespmem:s14], [sflag:$0x1], $0x5000, $0x38;
	[tilespmem:$0x18D00] =	vst v63  }
0x26: {  	_ =	swait.ge [sflag:s11], $0x5000  }
0x27: {  	[sflag:s11] =	ssyncset.done $0x0  }
0x28: {  	s31 =	sadd.s32 $0x0, s10;
	[sflag:s11] =	ssyncadd.s32 $0xFFFFB000  }
0x29: {  	[hbm4b:s31+s2] =	stream.linear.scatter [tilespmem:s15], [sflag:$0x1], $0x5000, $0x38;
	[tilespmem:$0x18D00] =	vst v63  }
0x2a: {  	_ =	swait.ge [sflag:s11], $0x5000  }
0x2b: {  	s19 =	simm.s32 $0x0;
	s18 =	simm.s32 $0xA00;
	[sflag:s11] =	ssyncset.done $0x0  }
.LBB2_2:
0x2c: {  	[sflag:s11] =	ssyncadd.s32 $0xFFFFB000  }
0x2d: {  	s17 =	sadd.s32 $0xA0, s17;
	s19 =	sadd.s32 $0xA0, s19;
	s20 =	smov.u32 s18  }
0x2e: {  	[tilespmem:s13], [sflag:$0x1] =	stream.indirect.gather [hbm4b:s3+s12], $0x80, s19, s12, $0xb8;
	[tilespmem:$0x18D00] =	vst v63  }
0x2f: {  	p0 =	sne.s32 s18, $0x4D800;
	s18 =	sadd.s32 $0xA00, s18;
	_ =	swait.ge [sflag:s11], $0x5000  }
0x30: {  	[sflag:s11] =	ssyncset.done $0x0  }
0x31: {  	[sflag:s11] =	ssyncadd.s32 $0xFFFFB000  }
0x32: {  	[tilespmem:s14], [sflag:$0x1] =	stream.indirect.gather [hbm4b:s4+s12], $0x80, s19, s12, $0xb8;
	[tilespmem:$0x18D00] =	vst v63  }
0x33: {  	_ =	swait.ge [sflag:s11], $0x5000  }
0x34: {  	[sflag:s11] =	ssyncset.done $0x0  }
0x35: {  	[sflag:s11] =	ssyncadd.s32 $0xFFFFB000  }
0x36: {  	[tilespmem:s15], [sflag:$0x1] =	stream.indirect.gather [hbm4b:s4+s12], $0x80, s17, s12, $0xb8;
	[tilespmem:$0x18D00] =	vst v63  }
0x37: {  	_ =	swait.ge [sflag:s11], $0x5000  }
0x38: {  	[sflag:s11] =	ssyncset.done $0x0  }
0x39: {  	s21 =	sadd.s32 s20, s8;
	[sflag:s11] =	ssyncadd.s32 $0xFFFFB000  }
0x3a: {  	[hbm4b:s21+s2] =	stream.linear.scatter [tilespmem:s13], [sflag:$0x1], $0x5000, $0x38;
	[tilespmem:$0x18D00] =	vst v63  }
0x3b: {  	_ =	swait.ge [sflag:s11], $0x5000  }
0x3c: {  	[sflag:s11] =	ssyncset.done $0x0  }
0x3d: {  	s21 =	sadd.s32 s20, s9;
	[sflag:s11] =	ssyncadd.s32 $0xFFFFB000  }
0x3e: {  	[hbm4b:s21+s2] =	stream.linear.scatter [tilespmem:s14], [sflag:$0x1], $0x5000, $0x38;
	[tilespmem:$0x18D00] =	vst v63  }
0x3f: {  	_ =	swait.ge [sflag:s11], $0x5000  }
.Ltmp0:
0x40: {  	[sflag:s11] =	ssyncset.done $0x0;
	(pc) =	sbr.rel @p0 .LBB2_2-.Ltmp0, $4  }
0x41: {  	s20 =	sadd.s32 s20, s10;
	[sflag:s11] =	ssyncadd.s32 $0xFFFFB000  }
0x42: {  	[hbm4b:s20+s2] =	stream.linear.scatter [tilespmem:s15], [sflag:$0x1], $0x5000, $0x38;
	[tilespmem:$0x18D00] =	vst v63  }
0x43: {  	_ =	swait.ge [sflag:s11], $0x5000  }
0x44: {  	[sflag:s11] =	ssyncset.done $0x0  }
0x45: {  	s16 =	sadd.s32 $0x1, s16  }
0x46: {  	p0 =	sne.s32 s16, s7  }
.Ltmp1:
0x47: {  	_ = 	snop;
	(pc) =	sbr.rel @p0 .LBB2_1-.Ltmp1, $2  }
0x48: {  	_ =	sdelay $0x2  }
0x49: {  	[sflag:s11] =	ssyncadd.s32 $0xFFFFB000  }
0x4a: {  	_ =	sfence.sel $0x180000  }
0x4b: {  	[bflag:$0x0] =	sbarrier.arrive $0xFFFF  }
0x4c: {  	p0 =	sne.s32 s0, $0x0;
	_ =	strace $0x90000047  }
0x4d: {  	s0 =	sadd.s32 @!p0 $0x100000, s1;
	[bflag:$0x2] =	sbarrier.arrive $0xFFFF  }
0x4e: {  	[sflag:s0] =	ssyncadd.tile.s32 @!p0 $0x1;
	_ =	shalt  }
.Lfunc_end2:
_tile_overlayer_lowered:
.L_overlay_start_2:
0x4f: {  	(tag) =	ssettag $0x2  }
0x50: {  	s0 =	rddreg [dreg:$0x0];
	s2 =	stileid.u32  }
0x51: {  	s1 =	rddreg [dreg:$0x1];
	p0 =	sne.s32 s2, $0x0  }
0x52: {  	s3 =	rddreg [dreg:$0x2];
	[bflag:$0x3] =	sbarrier.arrive $0xFFFF;
	s2 =	simm.s32 @!p0 $0x1C01  }
0x53: {  	[timem:s3], [sflag:s2] =	dma.local @!p0 [hbm:s0], s1  }
0x54: {  	s0 =	simm.s32 @!p0 $0x1  }
0x55: {  	_ =	swait.ge @!p0 [sflag:s0], s1  }
0x56: {  	s1 =	ssub.s32 @!p0 $0x0, s1;
	[sflag:s0] =	ssyncset.done @!p0 $0x0  }
0x57: {  	[sflag:s0] =	ssyncadd.s32 @!p0 s1  }
0x58: {  	[bflag:$0x3] =	sbarrier.arrive $0xFFFF  }
0x59: {  	_ =	shalt  }

</sc_bundles>
